<compile_context>
chip_gen: v7x
topology: tpu7x:2x2x1
jax: 0.10.2.dev20260603
libtpu: 0.0.44.dev20260713+nightly
codegen_flags: <defaults>
</compile_context>

<pallas_src>
import functools

import jax
import jax.numpy as jnp
import numpy as np
from jax import lax
from jax.experimental import pallas as pl
from jax.experimental.pallas import tpu as pltpu
from jax.experimental.pallas import tpu_sc as plsc

_FEATURE_FIELDS = [100000] * 26
_OFFSETS = np.array((0, *np.cumsum(_FEATURE_FIELDS)[:-1]), dtype=np.int32)
_B = 4096
_F = 26
_D = 64
_BF = _B * _F
_BN_EPS = 1e-3

_NC = 2
_NS = 16
_NW = _NC * _NS
_CH = 32
_BB = 16
_NG = _F // 2
_NBLK = _B // _BB
_NCHUNK = _NBLK * _NG
_CPW = _NCHUNK // _NW

_VE = 2600000
_VL = 162500

_CHUNKS_PER_W = _BF // (_NW * 128)
_N_PER_W = 128 * _CHUNKS_PER_W

_BM = 512
_H = _F * _D


def _sc_gather_emb(xic, t_in):
    mesh = plsc.VectorSubcoreMesh(core_axis_name="c", subcore_axis_name="s")

    @functools.partial(
        pl.kernel,
        mesh=mesh,
        compiler_params=pltpu.CompilerParams(use_tc_tiling_on_sc=True,
                                             needs_layout_passes=False),
        out_type=(
            jax.ShapeDtypeStruct((_B, _H), jnp.float32),
            jax.ShapeDtypeStruct((_CH, 8, _D), jnp.float32),
        ),
        scratch_types=(
            pltpu.VMEM((_CPW, _CH), jnp.int32),
            pltpu.SMEM((2, _CH), jnp.int32),
            pltpu.VMEM((2, _CH, 8, _D), jnp.float32),
            pltpu.VMEM((_BB, 128), jnp.float32),
            pltpu.SemaphoreType.DMA,
            pltpu.SemaphoreType.DMA,
        ),
    )
    def k(xi_hbm, t_hbm, out_hbm, dummy_hbm, xiv, xis, sbuf, obuf, sem0,
          sem1):
        wid = lax.axis_index("s") * _NC + lax.axis_index("c")
        sems = (sem0, sem1)
        lanes = lax.broadcasted_iota(jnp.int32, (16,), 0)
        pltpu.sync_copy(xi_hbm.at[wid], xiv)

        def issue(j, slot):
            for grp in range(_CH // 16):
                vec = xiv[j, pl.ds(grp * 16, 16)]

                def gb(lane, cc):
                    r = jnp.sum(jnp.where(lanes == lane, vec, 0))
                    i = grp * 16 + lane
                    xis[slot, i] = r
                    q = lax.shift_right_logical(r, 3)
                    pltpu.async_copy(t_hbm.at[q],
                                     sbuf.at[slot].at[i], sems[slot])
                    return cc

                lax.fori_loop(0, 16, gb, 0)

        def drain_ext(j, slot):
            pltpu.make_async_copy(dummy_hbm, sbuf.at[slot],
                                  sems[slot]).wait()

            def ext(i, cc):
                r = xis[slot, i]
                m = r & 7
                row = i >> 1
                col = (i & 1) * _D
                for g in range(_D // 16):
                    obuf[row, pl.ds(col + g * 16, 16)] = (
                        sbuf[slot, i, m, pl.ds(g * 16, 16)])
                return cc

            lax.fori_loop(0, _CH, ext, 0)
            cid = wid * _CPW + j
            gp = lax.rem(cid, _NG)
            b0 = lax.div(cid, _NG) * _BB
            pltpu.sync_copy(
                obuf,
                out_hbm.at[pl.ds(pl.multiple_of(b0, _BB), _BB),
                           pl.ds(pl.multiple_of(gp * 128, 128), 128)])

        issue(0, 0)

        def pair(p, carry):
            j0 = p * 2
            issue(j0 + 1, 1)
            drain_ext(j0, 0)

            @pl.when(j0 + 2 < _CPW)
            def _():
                issue(j0 + 2, 0)

            drain_ext(j0 + 1, 1)
            return carry

        lax.fori_loop(0, _CPW // 2, pair, 0)

    return k(xic, t_in)


def _sc_gather_lin(ql3, lp):
    mesh = plsc.VectorSubcoreMesh(core_axis_name="c", subcore_axis_name="s")

    @functools.partial(
        pl.kernel,
        mesh=mesh,
        compiler_params=pltpu.CompilerParams(use_tc_tiling_on_sc=False),
        out_type=jax.ShapeDtypeStruct((_BF, 16), jnp.float32),
        scratch_types=(
            pltpu.VMEM((_CHUNKS_PER_W, 128), jnp.int32),
            pltpu.VMEM((128, 16), jnp.float32),
            pltpu.SemaphoreType.DMA,
        ),
    )
    def k(ql_hbm, lp_hbm, lout_hbm, qlv, lbuf, lsem):
        wid = lax.axis_index("s") * _NC + lax.axis_index("c")
        base = wid * _N_PER_W
        pltpu.sync_copy(ql_hbm.at[wid], qlv)

        def body(j, carry):
            pltpu.async_copy(lp_hbm.at[qlv.at[j]], lbuf, lsem).wait()
            pltpu.sync_copy(lbuf, lout_hbm.at[pl.ds(base + j * 128, 128)])
            return carry

        lax.fori_loop(0, _CHUNKS_PER_W, body, 0)

    return k(ql3, lp)


def _tc_body(h_ref, l16_ref, m16_ref, bias_ref,
             w1_ref, b1_ref, g1_ref, e1_ref,
             w2_ref, b2_ref, g2_ref, e2_ref,
             w3_ref, b3_ref, g3_ref, e3_ref,
             wout_ref, bout_ref, out_ref):
    inv = lax.rsqrt(jnp.float32(1.0 + _BN_EPS))
    h = h_ref[...]
    s = h[:, 0:_D]
    for f in range(1, _F):
        s = s + h[:, f * _D:(f + 1) * _D]
    sq_of_sum = jnp.sum(s * s, axis=1, keepdims=True)
    sum_of_sq = jnp.sum(h * h, axis=1, keepdims=True)
    cross = 0.5 * (sq_of_sum - sum_of_sq)
    lin = jnp.sum(l16_ref[...] * m16_ref[...], axis=1, keepdims=True)
    lin = lin + bias_ref[0, 0]

    def layer(a, w_ref, b_ref, g_ref, e_ref):
        z = jnp.dot(a, w_ref[...], preferred_element_type=jnp.float32)
        scale = g_ref[...] * inv
        shift = b_ref[...] * scale + e_ref[...]
        return jnp.maximum(z * scale + shift, 0.0)

    a = layer(h, w1_ref, b1_ref, g1_ref, e1_ref)
    a = layer(a, w2_ref, b2_ref, g2_ref, e2_ref)
    a = layer(a, w3_ref, b3_ref, g3_ref, e3_ref)
    mlp = jnp.dot(a, wout_ref[...], preferred_element_type=jnp.float32)
    mlp = mlp + bout_ref[0, 0]
    v = lin + cross + mlp
    out_ref[...] = 1.0 / (1.0 + jnp.exp(-v))


def _tc_mlp(h, l16, m16, bias, W1, b1, g1, be1, W2, b2, g2, be2, W3, b3, g3,
            be3, Wout, bout):
    grid = (_B // _BM,)

    def brow(shape):
        return pl.BlockSpec(shape, lambda i: (i, 0))

    def bfull(shape):
        return pl.BlockSpec(shape, lambda i: (0, 0))

    in_specs = [
        brow((_BM, _H)),
        brow((_BM, _F * 16)),
        brow((_BM, _F * 16)),
        bfull((1, 1)),
        bfull((_H, 400)), bfull((1, 400)), bfull((1, 400)), bfull((1, 400)),
        bfull((400, 400)), bfull((1, 400)), bfull((1, 400)), bfull((1, 400)),
        bfull((400, 400)), bfull((1, 400)), bfull((1, 400)), bfull((1, 400)),
        bfull((400, 1)), bfull((1, 1)),
    ]
    out_specs = pl.BlockSpec((_BM, 1), lambda i: (i, 0))
    return pl.pallas_call(
        _tc_body,
        grid=grid,
        in_specs=in_specs,
        out_specs=out_specs,
        out_shape=jax.ShapeDtypeStruct((_B, 1), jnp.float32),
    )(h, l16, m16, bias.reshape(1, 1),
      W1, b1.reshape(1, 400), g1.reshape(1, 400), be1.reshape(1, 400),
      W2, b2.reshape(1, 400), g2.reshape(1, 400), be2.reshape(1, 400),
      W3, b3.reshape(1, 400), g3.reshape(1, 400), be3.reshape(1, 400),
      Wout, bout.reshape(1, 1))


def kernel(x, linear_w, embed_w, bias, W1, b1, g1, be1, W2, b2, g2, be2, W3,
           b3, g3, be3, Wout, bout):
    xi = x + jnp.asarray(_OFFSETS, dtype=x.dtype)[None, :]
    xic = (xi.reshape(_NBLK, _BB, _NG, 2)
           .transpose(0, 2, 1, 3)
           .reshape(_NW, _CPW, _CH))
    ql3 = (xi.reshape(-1) >> 4).reshape(_NW, _CHUNKS_PER_W, 128)
    t_in = embed_w[:_VE].reshape(_VE // 8, 8, _D)
    lp = linear_w.reshape(-1)[:16 * _VL].reshape(_VL, 16)
    h, _ = _sc_gather_emb(xic, t_in)
    lin16 = _sc_gather_lin(ql3, lp)
    l16 = lin16.reshape(_B, _F * 16)
    m16 = jax.nn.one_hot(xi & 15, 16, dtype=jnp.float32).reshape(_B, _F * 16)
    return _tc_mlp(h, l16, m16, bias, W1, b1, g1, be1, W2, b2, g2, be2, W3,
                   b3, g3, be3, Wout, bout)

# --- scband reference (transcript-rebuilt; emitter-appended) ---
"""Pipeline reference for scband-deep-fm-58377195487411 (READ-ONLY COPY).

The authoritative reference and input builder live on the scoring server;
editing this copy changes nothing except your own understanding.
"""

import jax, jax.numpy as jnp
import numpy as np

FEATURE_FIELDS = [100000] * 26
EMBED_DIM = 64
MLP_DIMS = [400, 400, 400]
BATCH = 4096
OFFSETS = np.array((0, *np.cumsum(FEATURE_FIELDS)[:-1]), dtype=np.int32)
INPUT_DIMS = int(sum(FEATURE_FIELDS)) + 1
EMBED_OUT_DIM = len(FEATURE_FIELDS) * EMBED_DIM
BN_EPS = 1e-3


def setup_inputs(seed: int = 0) -> dict:
    key = jax.random.key(seed)
    ks = jax.random.split(key, 20)
    x = jax.random.randint(ks[0], (BATCH, len(FEATURE_FIELDS)), 0, 100000, dtype=jnp.int32)
    inp = {"x": x}
    inp["linear_w"] = 0.05 * jax.random.normal(ks[1], (INPUT_DIMS, 1), dtype=jnp.float32)
    inp["embed_w"] = 0.05 * jax.random.normal(ks[2], (INPUT_DIMS, EMBED_DIM), dtype=jnp.float32)
    inp["bias"] = 0.05 * jax.random.normal(ks[3], (1,), dtype=jnp.float32)
    dims = [EMBED_OUT_DIM] + MLP_DIMS
    kidx = 4
    for i in range(len(MLP_DIMS)):
        fan_in, fan_out = dims[i], dims[i + 1]
        lim = np.sqrt(6.0 / (fan_in + fan_out))
        inp[f"W{i+1}"] = jax.random.uniform(ks[kidx], (fan_in, fan_out), dtype=jnp.float32, minval=-lim, maxval=lim)
        inp[f"b{i+1}"] = jnp.zeros((fan_out,), dtype=jnp.float32)
        inp[f"g{i+1}"] = jnp.ones((fan_out,), dtype=jnp.float32)
        inp[f"be{i+1}"] = jnp.zeros((fan_out,), dtype=jnp.float32)
        kidx += 1
    lim = np.sqrt(6.0 / (dims[-1] + 1))
    inp["Wout"] = jax.random.uniform(ks[kidx], (dims[-1], 1), dtype=jnp.float32, minval=-lim, maxval=lim)
    inp["bout"] = jnp.zeros((1,), dtype=jnp.float32)
    return inp


def _bn_inference(h, gamma, beta):
    # Keras BatchNormalization at inference with fresh moving stats (mean=0, var=1)
    return gamma * h / jnp.sqrt(1.0 + BN_EPS) + beta


def reference(x, linear_w, embed_w, bias, W1, b1, g1, be1, W2, b2, g2, be2, W3, b3, g3, be3, Wout, bout):
    offs = jnp.asarray(OFFSETS, dtype=x.dtype)
    xi = x + offs[None, :]
    # linear part: [B, F, 1] -> sum over fields -> [B, 1]
    linear_part = jnp.sum(jnp.take(linear_w, xi, axis=0), axis=1) + bias
    # embeddings: [B, F, D]
    e = jnp.take(embed_w, xi, axis=0)
    square_of_sum = jnp.square(jnp.sum(e, axis=1, keepdims=True))  # [B, 1, D]
    sum_of_square = jnp.sum(e * e, axis=1, keepdims=True)          # [B, 1, D]
    cross_part = 0.5 * jnp.sum(square_of_sum - sum_of_square, axis=2)  # [B, 1]
    # MLP (dropout is identity at inference)
    h = jnp.reshape(e, (-1, EMBED_OUT_DIM))
    h = jax.nn.relu(_bn_inference(h @ W1 + b1, g1, be1))
    h = jax.nn.relu(_bn_inference(h @ W2 + b2, g2, be2))
    h = jax.nn.relu(_bn_inference(h @ W3 + b3, g3, be3))
    mlp_part = h @ Wout + bout  # [B, 1]
    out = jax.nn.sigmoid(linear_part + cross_part + mlp_part)
    return out

if __name__ == "__main__":
    import jax
    _d = setup_inputs()
    print(jax.jit(kernel)(*tuple(_d.values())))

</pallas_src>

<mosaic_0001>
#map = affine_map<(d0, d1) -> (0, 0, 0)>
#map1 = affine_map<(d0, d1) -> (0, 0)>
module attributes {stable_mosaic.version = 14 : i64} {
  func.func @k(%arg0: i32, %arg1: i32, %arg2: memref<32x26x128xi32, #tpu.memory_space<hbm>>, %arg3: memref<162500x16xf32, #tpu.memory_space<hbm>>, %arg4: memref<106496x16xf32, #tpu.memory_space<hbm>>, %arg5: memref<26x128xi32, #tpu.memory_space<vmem>>, %arg6: memref<128x16xf32, #tpu.memory_space<vmem>>, %arg7: memref<!tpu.dma_semaphore, #tpu.memory_space<semaphore_mem>>) attributes {dimension_semantics = [#tpu.dimension_semantics<core_parallel>, #tpu.dimension_semantics<subcore_parallel>], iteration_bounds = array<i64: 2, 16>, scalar_prefetch = 0 : i64, scratch_operands = 3 : i64, tpu.core_type = #tpu.core_type<sc_vector_subcore>, window_params = [{transform_indices = #map}, {transform_indices = #map1}, {transform_indices = #map1}]} {
    %mul3A = arith.constant 2 : i32
    %mul3A_0 = arith.muli %arg1, %mul3A : i32
    %add3A = arith.addi %mul3A_0, %arg0 : i32
    %mul3A_1 = arith.constant 3328 : i32
    %mul3A_2 = arith.muli %add3A, %mul3A_1 : i32
    "tpu.region"() ({
      %run_scoped3A = tpu.sem_alloc : memref<!tpu.dma_semaphore, #tpu.memory_space<semaphore_mem>>
      %dma_start3A = arith.constant 0 : i32
      %dma_start3A_8 = arith.constant 0 : i32
      %dma_start3A_9 = tpu.memref_slice %arg2[%add3A, %dma_start3A, %dma_start3A_8] : memref<32x26x128xi32, #tpu.memory_space<hbm>> -> memref<1x26x128xi32, #tpu.memory_space<hbm>>
      %dma_start3A_10 = tpu.memref_squeeze %dma_start3A_9 : memref<1x26x128xi32, #tpu.memory_space<hbm>> -> memref<26x128xi32, #tpu.memory_space<hbm>>
      %dma_start3A_11 = arith.constant 0 : i32
      %dma_start3A_12 = arith.constant 0 : i32
      %dma_start3A_13 = tpu.memref_slice %arg2[%add3A, %dma_start3A_11, %dma_start3A_12] : memref<32x26x128xi32, #tpu.memory_space<hbm>> -> memref<1x26x128xi32, #tpu.memory_space<hbm>>
      %dma_start3A_14 = tpu.memref_squeeze %dma_start3A_13 : memref<1x26x128xi32, #tpu.memory_space<hbm>> -> memref<26x128xi32, #tpu.memory_space<hbm>>
      tpu.enqueue_dma source(%dma_start3A_14 : memref<26x128xi32, #tpu.memory_space<hbm>>) target(%arg5 : memref<26x128xi32, #tpu.memory_space<vmem>>) target_semaphore(%run_scoped3A : memref<!tpu.dma_semaphore, #tpu.memory_space<semaphore_mem>>)
      %dma_wait3A = arith.constant 0 : i32
      %dma_wait3A_15 = arith.constant 0 : i32
      %dma_wait3A_16 = tpu.memref_slice %arg2[%add3A, %dma_wait3A, %dma_wait3A_15] : memref<32x26x128xi32, #tpu.memory_space<hbm>> -> memref<1x26x128xi32, #tpu.memory_space<hbm>>
      %dma_wait3A_17 = tpu.memref_squeeze %dma_wait3A_16 : memref<1x26x128xi32, #tpu.memory_space<hbm>> -> memref<26x128xi32, #tpu.memory_space<hbm>>
      %dma_wait3A_18 = arith.constant 0 : i32
      %dma_wait3A_19 = arith.constant 0 : i32
      %dma_wait3A_20 = tpu.memref_slice %arg2[%add3A, %dma_wait3A_18, %dma_wait3A_19] : memref<32x26x128xi32, #tpu.memory_space<hbm>> -> memref<1x26x128xi32, #tpu.memory_space<hbm>>
      %dma_wait3A_21 = tpu.memref_squeeze %dma_wait3A_20 : memref<1x26x128xi32, #tpu.memory_space<hbm>> -> memref<26x128xi32, #tpu.memory_space<hbm>>
      tpu.wait_dma2 semaphore(%run_scoped3A : memref<!tpu.dma_semaphore, #tpu.memory_space<semaphore_mem>>) src(%dma_wait3A_21 : memref<26x128xi32, #tpu.memory_space<hbm>>) dst(%arg5 : memref<26x128xi32, #tpu.memory_space<vmem>>)
      tpu.yield
    }) : () -> ()
    %scan3A = arith.constant 0 : i32
    %scan3A_3 = arith.constant 0 : i32
    %scan3A_4 = arith.constant 26 : i32
    %scan3A_5 = arith.addi %scan3A_3, %scan3A_4 : i32
    %scan3A_6 = arith.constant 1 : i32
    scf.for %scan3A_8 = %scan3A_3 to %scan3A_5 step %scan3A_6  : i32 {
      %dma_start3A = arith.constant 0 : i32
      %dma_start3A_9 = tpu.memref_slice %arg5[%scan3A_8, %dma_start3A] : memref<26x128xi32, #tpu.memory_space<vmem>> -> memref<1x128xi32, #tpu.memory_space<vmem>>
      %dma_start3A_10 = tpu.memref_squeeze %dma_start3A_9 : memref<1x128xi32, #tpu.memory_space<vmem>> -> memref<128xi32, #tpu.memory_space<vmem>>
      %dma_start3A_11 = arith.constant 0 : i32
      %dma_start3A_12 = arith.constant 0 : i32
      %dma_start3A_13 = tpu.memref_slice %arg3[%dma_start3A_11, %dma_start3A_12] : memref<162500x16xf32, #tpu.memory_space<hbm>> -> memref<162500x16xf32, #tpu.memory_space<hbm>>
      tpu.enqueue_indirect_dma source(%dma_start3A_13 : memref<162500x16xf32, #tpu.memory_space<hbm>>) target(%arg6 : memref<128x16xf32, #tpu.memory_space<vmem>>) offsets(%dma_start3A_10 : memref<128xi32, #tpu.memory_space<vmem>>) semaphore(%arg7 : memref<!tpu.dma_semaphore, #tpu.memory_space<semaphore_mem>>)
      %dma_wait3A = arith.constant 0 : i32
      %dma_wait3A_14 = tpu.memref_slice %arg5[%scan3A_8, %dma_wait3A] : memref<26x128xi32, #tpu.memory_space<vmem>> -> memref<1x128xi32, #tpu.memory_space<vmem>>
      %dma_wait3A_15 = tpu.memref_squeeze %dma_wait3A_14 : memref<1x128xi32, #tpu.memory_space<vmem>> -> memref<128xi32, #tpu.memory_space<vmem>>
      %dma_wait3A_16 = arith.constant 0 : i32
      %dma_wait3A_17 = arith.constant 0 : i32
      %dma_wait3A_18 = tpu.memref_slice %arg3[%dma_wait3A_16, %dma_wait3A_17] : memref<162500x16xf32, #tpu.memory_space<hbm>> -> memref<162500x16xf32, #tpu.memory_space<hbm>>
      tpu.wait_indirect_dma semaphore(%arg7 : memref<!tpu.dma_semaphore, #tpu.memory_space<semaphore_mem>>) src(%dma_wait3A_18 : memref<162500x16xf32, #tpu.memory_space<hbm>>) dst(%arg6 : memref<128x16xf32, #tpu.memory_space<vmem>>)
      %mul3A_19 = arith.constant 128 : i32
      %mul3A_20 = arith.muli %scan3A_8, %mul3A_19 : i32
      %add3A_21 = arith.addi %mul3A_2, %mul3A_20 : i32
      "tpu.region"() ({
        %run_scoped3A = tpu.sem_alloc : memref<!tpu.dma_semaphore, #tpu.memory_space<semaphore_mem>>
        %dma_start3A_22 = arith.constant 0 : i32
        %dma_start3A_23 = tpu.memref_slice %arg4[%add3A_21, %dma_start3A_22] : memref<106496x16xf32, #tpu.memory_space<hbm>> -> memref<128x16xf32, #tpu.memory_space<hbm>>
        %dma_start3A_24 = arith.constant 0 : i32
        %dma_start3A_25 = tpu.memref_slice %arg4[%add3A_21, %dma_start3A_24] : memref<106496x16xf32, #tpu.memory_space<hbm>> -> memref<128x16xf32, #tpu.memory_space<hbm>>
        tpu.enqueue_dma source(%arg6 : memref<128x16xf32, #tpu.memory_space<vmem>>) target(%dma_start3A_25 : memref<128x16xf32, #tpu.memory_space<hbm>>) target_semaphore(%run_scoped3A : memref<!tpu.dma_semaphore, #tpu.memory_space<semaphore_mem>>)
        %dma_wait3A_26 = arith.constant 0 : i32
        %dma_wait3A_27 = tpu.memref_slice %arg4[%add3A_21, %dma_wait3A_26] : memref<106496x16xf32, #tpu.memory_space<hbm>> -> memref<128x16xf32, #tpu.memory_space<hbm>>
        %dma_wait3A_28 = arith.constant 0 : i32
        %dma_wait3A_29 = tpu.memref_slice %arg4[%add3A_21, %dma_wait3A_28] : memref<106496x16xf32, #tpu.memory_space<hbm>> -> memref<128x16xf32, #tpu.memory_space<hbm>>
        tpu.wait_dma2 semaphore(%run_scoped3A : memref<!tpu.dma_semaphore, #tpu.memory_space<semaphore_mem>>) src(%arg6 : memref<128x16xf32, #tpu.memory_space<vmem>>) dst(%dma_wait3A_29 : memref<128x16xf32, #tpu.memory_space<hbm>>)
        tpu.yield
      }) : () -> ()
    }
    %scan3A_7 = arith.constant 26 : i32
    return
  }
}

#map = affine_map<(d0, d1) -> (0, 0, 0)>
#map1 = affine_map<(d0, d1) -> (0, 0)>
module attributes {stable_mosaic.version = 14 : i64} {
  func.func @k(%arg0: i32, %arg1: i32, %arg2: memref<32x104x32xi32, #tpu.memory_space<hbm>>, %arg3: memref<325000x8x64xf32, #tpu.memory_space<hbm>>, %arg4: memref<4096x1664xf32, #tpu.memory_space<hbm>>, %arg5: memref<32x8x64xf32, #tpu.memory_space<hbm>>, %arg6: memref<104x32xi32, #tpu.memory_space<vmem>>, %arg7: memref<2x32xi32, #tpu.memory_space<smem>>, %arg8: memref<2x32x8x64xf32, #tpu.memory_space<vmem>>, %arg9: memref<16x128xf32, #tpu.memory_space<vmem>>, %arg10: memref<!tpu.dma_semaphore, #tpu.memory_space<semaphore_mem>>, %arg11: memref<!tpu.dma_semaphore, #tpu.memory_space<semaphore_mem>>) attributes {dimension_semantics = [#tpu.dimension_semantics<core_parallel>, #tpu.dimension_semantics<subcore_parallel>], iteration_bounds = array<i64: 2, 16>, scalar_prefetch = 0 : i64, scratch_operands = 6 : i64, tpu.core_type = #tpu.core_type<sc_vector_subcore>, window_params = [{transform_indices = #map}, {transform_indices = #map}, {transform_indices = #map1}, {transform_indices = #map}]} {
    %mul3A = arith.constant 2 : i32
    %mul3A_0 = arith.muli %arg1, %mul3A : i32
    %add3A = arith.addi %mul3A_0, %arg0 : i32
    %iota3A = tpu.iota {dimensions = array<i32: 0>} : vector<16xi32>
    "tpu.region"() ({
      %run_scoped3A = tpu.sem_alloc : memref<!tpu.dma_semaphore, #tpu.memory_space<semaphore_mem>>
      %dma_start3A = arith.constant 0 : i32
      %dma_start3A_25 = arith.constant 0 : i32
      %dma_start3A_26 = tpu.memref_slice %arg2[%add3A, %dma_start3A, %dma_start3A_25] : memref<32x104x32xi32, #tpu.memory_space<hbm>> -> memref<1x104x32xi32, #tpu.memory_space<hbm>>
      %dma_start3A_27 = tpu.memref_squeeze %dma_start3A_26 : memref<1x104x32xi32, #tpu.memory_space<hbm>> -> memref<104x32xi32, #tpu.memory_space<hbm>>
      %dma_start3A_28 = arith.constant 0 : i32
      %dma_start3A_29 = arith.constant 0 : i32
      %dma_start3A_30 = tpu.memref_slice %arg2[%add3A, %dma_start3A_28, %dma_start3A_29] : memref<32x104x32xi32, #tpu.memory_space<hbm>> -> memref<1x104x32xi32, #tpu.memory_space<hbm>>
      %dma_start3A_31 = tpu.memref_squeeze %dma_start3A_30 : memref<1x104x32xi32, #tpu.memory_space<hbm>> -> memref<104x32xi32, #tpu.memory_space<hbm>>
      tpu.enqueue_dma source(%dma_start3A_31 : memref<104x32xi32, #tpu.memory_space<hbm>>) target(%arg6 : memref<104x32xi32, #tpu.memory_space<vmem>>) target_semaphore(%run_scoped3A : memref<!tpu.dma_semaphore, #tpu.memory_space<semaphore_mem>>)
      %dma_wait3A = arith.constant 0 : i32
      %dma_wait3A_32 = arith.constant 0 : i32
      %dma_wait3A_33 = tpu.memref_slice %arg2[%add3A, %dma_wait3A, %dma_wait3A_32] : memref<32x104x32xi32, #tpu.memory_space<hbm>> -> memref<1x104x32xi32, #tpu.memory_space<hbm>>
      %dma_wait3A_34 = tpu.memref_squeeze %dma_wait3A_33 : memref<1x104x32xi32, #tpu.memory_space<hbm>> -> memref<104x32xi32, #tpu.memory_space<hbm>>
      %dma_wait3A_35 = arith.constant 0 : i32
      %dma_wait3A_36 = arith.constant 0 : i32
      %dma_wait3A_37 = tpu.memref_slice %arg2[%add3A, %dma_wait3A_35, %dma_wait3A_36] : memref<32x104x32xi32, #tpu.memory_space<hbm>> -> memref<1x104x32xi32, #tpu.memory_space<hbm>>
      %dma_wait3A_38 = tpu.memref_squeeze %dma_wait3A_37 : memref<1x104x32xi32, #tpu.memory_space<hbm>> -> memref<104x32xi32, #tpu.memory_space<hbm>>
      tpu.wait_dma2 semaphore(%run_scoped3A : memref<!tpu.dma_semaphore, #tpu.memory_space<semaphore_mem>>) src(%dma_wait3A_38 : memref<104x32xi32, #tpu.memory_space<hbm>>) dst(%arg6 : memref<104x32xi32, #tpu.memory_space<vmem>>)
      tpu.yield
    }) : () -> ()
    %get3A = arith.constant 0 : i32
    %get3A_1 = arith.index_cast %get3A : i32 to index
    %get3A_2 = arith.constant 0 : index
    %get3A_3 = tpu.vector_load %arg6[%get3A_1, %get3A_2] {strides = array<i32>} : memref<104x32xi32, #tpu.memory_space<vmem>>, vector<16xi32>,
    %scan3A = arith.constant 0 : i32
    %scan3A_4 = arith.constant 0 : i32
    %scan3A_5 = arith.constant 16 : i32
    %scan3A_6 = arith.addi %scan3A_4, %scan3A_5 : i32
    %scan3A_7 = arith.constant 1 : i32
    scf.for %scan3A_25 = %scan3A_4 to %scan3A_6 step %scan3A_7  : i32 {
      %eq3A = vector.broadcast %scan3A_25 : i32 to vector<16xi32>
      %eq3A_26 = arith.cmpi eq, %iota3A, %eq3A : vector<16xi32>
      %jit3A = arith.constant 0 : i32
      %broadcast_in_dim3A = vector.broadcast %jit3A : i32 to vector<16xi32>
      %select_n3A = arith.select %eq3A_26, %get3A_3, %broadcast_in_dim3A : vector<16xi1>, vector<16xi32>
      %reduce_sum3A = arith.constant true
      %reduce_sum3A_27 = vector.broadcast %reduce_sum3A : i1 to vector<16xi1>
      %reduce_sum3A_28 = tpu.scan <sum>, %select_n3A masked %reduce_sum3A_27 : vector<16xi32>, vector<16xi1> -> vector<16xi32>
      %reduce_sum3A_29 = vector.extract %reduce_sum3A_28[15] : i32 from vector<16xi32>
      %add3A_30 = arith.constant 0 : i32
      %add3A_31 = arith.addi %add3A_30, %scan3A_25 : i32
      %swap3A = arith.constant 0 : i32
      %swap3A_32 = arith.index_cast %swap3A : i32 to index
      %swap3A_33 = arith.index_cast %add3A_31 : i32 to index
      %swap3A_34 = memref.load %arg7[%swap3A_32, %swap3A_33] : memref<2x32xi32, #tpu.memory_space<smem>>
      memref.store %reduce_sum3A_29, %arg7[%swap3A_32, %swap3A_33] : memref<2x32xi32, #tpu.memory_space<smem>>
      %shift_right_logical3A = arith.constant 3 : i32
      %shift_right_logical3A_35 = arith.shrui %reduce_sum3A_29, %shift_right_logical3A : i32
      %dma_start3A = arith.constant 0 : i32
      %dma_start3A_36 = arith.constant 0 : i32
      %dma_start3A_37 = arith.constant 0 : i32
      %dma_start3A_38 = arith.constant 0 : i32
      %dma_start3A_39 = tpu.memref_slice %arg8[%dma_start3A, %dma_start3A_36, %dma_start3A_37, %dma_start3A_38] : memref<2x32x8x64xf32, #tpu.memory_space<vmem>> -> memref<1x32x8x64xf32, #tpu.memory_space<vmem>>
      %dma_start3A_40 = tpu.memref_squeeze %dma_start3A_39 : memref<1x32x8x64xf32, #tpu.memory_space<vmem>> -> memref<32x8x64xf32, #tpu.memory_space<vmem>>
      %dma_start3A_41 = arith.constant 0 : i32
      %dma_start3A_42 = arith.constant 0 : i32
      %dma_start3A_43 = tpu.memref_slice %dma_start3A_40[%add3A_31, %dma_start3A_41, %dma_start3A_42] : memref<32x8x64xf32, #tpu.memory_space<vmem>> -> memref<1x8x64xf32, #tpu.memory_space<vmem>>
      %dma_start3A_44 = tpu.memref_squeeze %dma_start3A_43 : memref<1x8x64xf32, #tpu.memory_space<vmem>> -> memref<8x64xf32, #tpu.memory_space<vmem>>
      %dma_start3A_45 = arith.constant 0 : i32
      %dma_start3A_46 = arith.constant 0 : i32
      %dma_start3A_47 = tpu.memref_slice %arg3[%shift_right_logical3A_35, %dma_start3A_45, %dma_start3A_46] : memref<325000x8x64xf32, #tpu.memory_space<hbm>> -> memref<1x8x64xf32, #tpu.memory_space<hbm>>
      %dma_start3A_48 = tpu.memref_squeeze %dma_start3A_47 : memref<1x8x64xf32, #tpu.memory_space<hbm>> -> memref<8x64xf32, #tpu.memory_space<hbm>>
      %dma_start3A_49 = arith.constant 0 : i32
      %dma_start3A_50 = arith.constant 0 : i32
      %dma_start3A_51 = arith.constant 0 : i32
      %dma_start3A_52 = tpu.memref_slice %arg8[%dma_start3A, %dma_start3A_49, %dma_start3A_50, %dma_start3A_51] : memref<2x32x8x64xf32, #tpu.memory_space<vmem>> -> memref<1x32x8x64xf32, #tpu.memory_space<vmem>>
      %dma_start3A_53 = tpu.memref_squeeze %dma_start3A_52 : memref<1x32x8x64xf32, #tpu.memory_space<vmem>> -> memref<32x8x64xf32, #tpu.memory_space<vmem>>
      %dma_start3A_54 = arith.constant 0 : i32
      %dma_start3A_55 = arith.constant 0 : i32
      %dma_start3A_56 = tpu.memref_slice %dma_start3A_53[%add3A_31, %dma_start3A_54, %dma_start3A_55] : memref<32x8x64xf32, #tpu.memory_space<vmem>> -> memref<1x8x64xf32, #tpu.memory_space<vmem>>
      %dma_start3A_57 = tpu.memref_squeeze %dma_start3A_56 : memref<1x8x64xf32, #tpu.memory_space<vmem>> -> memref<8x64xf32, #tpu.memory_space<vmem>>
      %dma_start3A_58 = arith.constant 0 : i32
      %dma_start3A_59 = arith.constant 0 : i32
      %dma_start3A_60 = tpu.memref_slice %arg3[%shift_right_logical3A_35, %dma_start3A_58, %dma_start3A_59] : memref<325000x8x64xf32, #tpu.memory_space<hbm>> -> memref<1x8x64xf32, #tpu.memory_space<hbm>>
      %dma_start3A_61 = tpu.memref_squeeze %dma_start3A_60 : memref<1x8x64xf32, #tpu.memory_space<hbm>> -> memref<8x64xf32, #tpu.memory_space<hbm>>
      tpu.enqueue_dma source(%dma_start3A_61 : memref<8x64xf32, #tpu.memory_space<hbm>>) target(%dma_start3A_57 : memref<8x64xf32, #tpu.memory_space<vmem>>) target_semaphore(%arg10 : memref<!tpu.dma_semaphore, #tpu.memory_space<semaphore_mem>>)
    }
    %scan3A_8 = arith.constant 16 : i32
    %get3A_9 = arith.constant 0 : i32
    %get3A_10 = arith.index_cast %get3A_9 : i32 to index
    %get3A_11 = arith.constant 16 : index
    %get3A_12 = tpu.vector_load %arg6[%get3A_10, %get3A_11] {strides = array<i32>} : memref<104x32xi32, #tpu.memory_space<vmem>>, vector<16xi32>,
    %scan3A_13 = arith.constant 0 : i32
    %scan3A_14 = arith.constant 0 : i32
    %scan3A_15 = arith.constant 16 : i32
    %scan3A_16 = arith.addi %scan3A_14, %scan3A_15 : i32
    %scan3A_17 = arith.constant 1 : i32
    scf.for %scan3A_25 = %scan3A_14 to %scan3A_16 step %scan3A_17  : i32 {
      %eq3A = vector.broadcast %scan3A_25 : i32 to vector<16xi32>
      %eq3A_26 = arith.cmpi eq, %iota3A, %eq3A : vector<16xi32>
      %jit3A = arith.constant 0 : i32
      %broadcast_in_dim3A = vector.broadcast %jit3A : i32 to vector<16xi32>
      %select_n3A = arith.select %eq3A_26, %get3A_12, %broadcast_in_dim3A : vector<16xi1>, vector<16xi32>
      %reduce_sum3A = arith.constant true
      %reduce_sum3A_27 = vector.broadcast %reduce_sum3A : i1 to vector<16xi1>
      %reduce_sum3A_28 = tpu.scan <sum>, %select_n3A masked %reduce_sum3A_27 : vector<16xi32>, vector<16xi1> -> vector<16xi32>
      %reduce_sum3A_29 = vector.extract %reduce_sum3A_28[15] : i32 from vector<16xi32>
      %add3A_30 = arith.constant 16 : i32
      %add3A_31 = arith.addi %add3A_30, %scan3A_25 : i32
      %swap3A = arith.constant 0 : i32
      %swap3A_32 = arith.index_cast %swap3A : i32 to index
      %swap3A_33 = arith.index_cast %add3A_31 : i32 to index
      %swap3A_34 = memref.load %arg7[%swap3A_32, %swap3A_33] : memref<2x32xi32, #tpu.memory_space<smem>>
      memref.store %reduce_sum3A_29, %arg7[%swap3A_32, %swap3A_33] : memref<2x32xi32, #tpu.memory_space<smem>>
      %shift_right_logical3A = arith.constant 3 : i32
      %shift_right_logical3A_35 = arith.shrui %reduce_sum3A_29, %shift_right_logical3A : i32
      %dma_start3A = arith.constant 0 : i32
      %dma_start3A_36 = arith.constant 0 : i32
      %dma_start3A_37 = arith.constant 0 : i32
      %dma_start3A_38 = arith.constant 0 : i32
      %dma_start3A_39 = tpu.memref_slice %arg8[%dma_start3A, %dma_start3A_36, %dma_start3A_37, %dma_start3A_38] : memref<2x32x8x64xf32, #tpu.memory_space<vmem>> -> memref<1x32x8x64xf32, #tpu.memory_space<vmem>>
      %dma_start3A_40 = tpu.memref_squeeze %dma_start3A_39 : memref<1x32x8x64xf32, #tpu.memory_space<vmem>> -> memref<32x8x64xf32, #tpu.memory_space<vmem>>
      %dma_start3A_41 = arith.constant 0 : i32
      %dma_start3A_42 = arith.constant 0 : i32
      %dma_start3A_43 = tpu.memref_slice %dma_start3A_40[%add3A_31, %dma_start3A_41, %dma_start3A_42] : memref<32x8x64xf32, #tpu.memory_space<vmem>> -> memref<1x8x64xf32, #tpu.memory_space<vmem>>
      %dma_start3A_44 = tpu.memref_squeeze %dma_start3A_43 : memref<1x8x64xf32, #tpu.memory_space<vmem>> -> memref<8x64xf32, #tpu.memory_space<vmem>>
      %dma_start3A_45 = arith.constant 0 : i32
      %dma_start3A_46 = arith.constant 0 : i32
      %dma_start3A_47 = tpu.memref_slice %arg3[%shift_right_logical3A_35, %dma_start3A_45, %dma_start3A_46] : memref<325000x8x64xf32, #tpu.memory_space<hbm>> -> memref<1x8x64xf32, #tpu.memory_space<hbm>>
      %dma_start3A_48 = tpu.memref_squeeze %dma_start3A_47 : memref<1x8x64xf32, #tpu.memory_space<hbm>> -> memref<8x64xf32, #tpu.memory_space<hbm>>
      %dma_start3A_49 = arith.constant 0 : i32
      %dma_start3A_50 = arith.constant 0 : i32
      %dma_start3A_51 = arith.constant 0 : i32
      %dma_start3A_52 = tpu.memref_slice %arg8[%dma_start3A, %dma_start3A_49, %dma_start3A_50, %dma_start3A_51] : memref<2x32x8x64xf32, #tpu.memory_space<vmem>> -> memref<1x32x8x64xf32, #tpu.memory_space<vmem>>
      %dma_start3A_53 = tpu.memref_squeeze %dma_start3A_52 : memref<1x32x8x64xf32, #tpu.memory_space<vmem>> -> memref<32x8x64xf32, #tpu.memory_space<vmem>>
      %dma_start3A_54 = arith.constant 0 : i32
      %dma_start3A_55 = arith.constant 0 : i32
      %dma_start3A_56 = tpu.memref_slice %dma_start3A_53[%add3A_31, %dma_start3A_54, %dma_start3A_55] : memref<32x8x64xf32, #tpu.memory_space<vmem>> -> memref<1x8x64xf32, #tpu.memory_space<vmem>>
      %dma_start3A_57 = tpu.memref_squeeze %dma_start3A_56 : memref<1x8x64xf32, #tpu.memory_space<vmem>> -> memref<8x64xf32, #tpu.memory_space<vmem>>
      %dma_start3A_58 = arith.constant 0 : i32
      %dma_start3A_59 = arith.constant 0 : i32
      %dma_start3A_60 = tpu.memref_slice %arg3[%shift_right_logical3A_35, %dma_start3A_58, %dma_start3A_59] : memref<325000x8x64xf32, #tpu.memory_space<hbm>> -> memref<1x8x64xf32, #tpu.memory_space<hbm>>
      %dma_start3A_61 = tpu.memref_squeeze %dma_start3A_60 : memref<1x8x64xf32, #tpu.memory_space<hbm>> -> memref<8x64xf32, #tpu.memory_space<hbm>>
      tpu.enqueue_dma source(%dma_start3A_61 : memref<8x64xf32, #tpu.memory_space<hbm>>) target(%dma_start3A_57 : memref<8x64xf32, #tpu.memory_space<vmem>>) target_semaphore(%arg10 : memref<!tpu.dma_semaphore, #tpu.memory_space<semaphore_mem>>)
    }
    %scan3A_18 = arith.constant 16 : i32
    %scan3A_19 = arith.constant 0 : i32
    %scan3A_20 = arith.constant 0 : i32
    %scan3A_21 = arith.constant 52 : i32
    %scan3A_22 = arith.addi %scan3A_20, %scan3A_21 : i32
    %scan3A_23 = arith.constant 1 : i32
    scf.for %scan3A_25 = %scan3A_20 to %scan3A_22 step %scan3A_23  : i32 {
      %mul3A_26 = arith.constant 2 : i32
      %mul3A_27 = arith.muli %scan3A_25, %mul3A_26 : i32
      %add3A_28 = arith.constant 1 : i32
      %add3A_29 = arith.addi %mul3A_27, %add3A_28 : i32
      %get3A_30 = arith.index_cast %add3A_29 : i32 to index
      %get3A_31 = arith.constant 0 : index
      %get3A_32 = tpu.vector_load %arg6[%get3A_30, %get3A_31] {strides = array<i32>} : memref<104x32xi32, #tpu.memory_space<vmem>>, vector<16xi32>,
      %scan3A_33 = arith.constant 0 : i32
      %scan3A_34 = arith.constant 0 : i32
      %scan3A_35 = arith.constant 16 : i32
      %scan3A_36 = arith.addi %scan3A_34, %scan3A_35 : i32
      %scan3A_37 = arith.constant 1 : i32
      scf.for %scan3A_110 = %scan3A_34 to %scan3A_36 step %scan3A_37  : i32 {
        %eq3A = vector.broadcast %scan3A_110 : i32 to vector<16xi32>
        %eq3A_111 = arith.cmpi eq, %iota3A, %eq3A : vector<16xi32>
        %jit3A = arith.constant 0 : i32
        %broadcast_in_dim3A = vector.broadcast %jit3A : i32 to vector<16xi32>
        %select_n3A = arith.select %eq3A_111, %get3A_32, %broadcast_in_dim3A : vector<16xi1>, vector<16xi32>
        %reduce_sum3A = arith.constant true
        %reduce_sum3A_112 = vector.broadcast %reduce_sum3A : i1 to vector<16xi1>
        %reduce_sum3A_113 = tpu.scan <sum>, %select_n3A masked %reduce_sum3A_112 : vector<16xi32>, vector<16xi1> -> vector<16xi32>
        %reduce_sum3A_114 = vector.extract %reduce_sum3A_113[15] : i32 from vector<16xi32>
        %add3A_115 = arith.constant 0 : i32
        %add3A_116 = arith.addi %add3A_115, %scan3A_110 : i32
        %swap3A = arith.constant 1 : i32
        %swap3A_117 = arith.index_cast %swap3A : i32 to index
        %swap3A_118 = arith.index_cast %add3A_116 : i32 to index
        %swap3A_119 = memref.load %arg7[%swap3A_117, %swap3A_118] : memref<2x32xi32, #tpu.memory_space<smem>>
        memref.store %reduce_sum3A_114, %arg7[%swap3A_117, %swap3A_118] : memref<2x32xi32, #tpu.memory_space<smem>>
        %shift_right_logical3A = arith.constant 3 : i32
        %shift_right_logical3A_120 = arith.shrui %reduce_sum3A_114, %shift_right_logical3A : i32
        %dma_start3A = arith.constant 1 : i32
        %dma_start3A_121 = arith.constant 0 : i32
        %dma_start3A_122 = arith.constant 0 : i32
        %dma_start3A_123 = arith.constant 0 : i32
        %dma_start3A_124 = tpu.memref_slice %arg8[%dma_start3A, %dma_start3A_121, %dma_start3A_122, %dma_start3A_123] : memref<2x32x8x64xf32, #tpu.memory_space<vmem>> -> memref<1x32x8x64xf32, #tpu.memory_space<vmem>>
        %dma_start3A_125 = tpu.memref_squeeze %dma_start3A_124 : memref<1x32x8x64xf32, #tpu.memory_space<vmem>> -> memref<32x8x64xf32, #tpu.memory_space<vmem>>
        %dma_start3A_126 = arith.constant 0 : i32
        %dma_start3A_127 = arith.constant 0 : i32
        %dma_start3A_128 = tpu.memref_slice %dma_start3A_125[%add3A_116, %dma_start3A_126, %dma_start3A_127] : memref<32x8x64xf32, #tpu.memory_space<vmem>> -> memref<1x8x64xf32, #tpu.memory_space<vmem>>
        %dma_start3A_129 = tpu.memref_squeeze %dma_start3A_128 : memref<1x8x64xf32, #tpu.memory_space<vmem>> -> memref<8x64xf32, #tpu.memory_space<vmem>>
        %dma_start3A_130 = arith.constant 0 : i32
        %dma_start3A_131 = arith.constant 0 : i32
        %dma_start3A_132 = tpu.memref_slice %arg3[%shift_right_logical3A_120, %dma_start3A_130, %dma_start3A_131] : memref<325000x8x64xf32, #tpu.memory_space<hbm>> -> memref<1x8x64xf32, #tpu.memory_space<hbm>>
        %dma_start3A_133 = tpu.memref_squeeze %dma_start3A_132 : memref<1x8x64xf32, #tpu.memory_space<hbm>> -> memref<8x64xf32, #tpu.memory_space<hbm>>
        %dma_start3A_134 = arith.constant 0 : i32
        %dma_start3A_135 = arith.constant 0 : i32
        %dma_start3A_136 = arith.constant 0 : i32
        %dma_start3A_137 = tpu.memref_slice %arg8[%dma_start3A, %dma_start3A_134, %dma_start3A_135, %dma_start3A_136] : memref<2x32x8x64xf32, #tpu.memory_space<vmem>> -> memref<1x32x8x64xf32, #tpu.memory_space<vmem>>
        %dma_start3A_138 = tpu.memref_squeeze %dma_start3A_137 : memref<1x32x8x64xf32, #tpu.memory_space<vmem>> -> memref<32x8x64xf32, #tpu.memory_space<vmem>>
        %dma_start3A_139 = arith.constant 0 : i32
        %dma_start3A_140 = arith.constant 0 : i32
        %dma_start3A_141 = tpu.memref_slice %dma_start3A_138[%add3A_116, %dma_start3A_139, %dma_start3A_140] : memref<32x8x64xf32, #tpu.memory_space<vmem>> -> memref<1x8x64xf32, #tpu.memory_space<vmem>>
        %dma_start3A_142 = tpu.memref_squeeze %dma_start3A_141 : memref<1x8x64xf32, #tpu.memory_space<vmem>> -> memref<8x64xf32, #tpu.memory_space<vmem>>
        %dma_start3A_143 = arith.constant 0 : i32
        %dma_start3A_144 = arith.constant 0 : i32
        %dma_start3A_145 = tpu.memref_slice %arg3[%shift_right_logical3A_120, %dma_start3A_143, %dma_start3A_144] : memref<325000x8x64xf32, #tpu.memory_space<hbm>> -> memref<1x8x64xf32, #tpu.memory_space<hbm>>
        %dma_start3A_146 = tpu.memref_squeeze %dma_start3A_145 : memref<1x8x64xf32, #tpu.memory_space<hbm>> -> memref<8x64xf32, #tpu.memory_space<hbm>>
        tpu.enqueue_dma source(%dma_start3A_146 : memref<8x64xf32, #tpu.memory_space<hbm>>) target(%dma_start3A_142 : memref<8x64xf32, #tpu.memory_space<vmem>>) target_semaphore(%arg11 : memref<!tpu.dma_semaphore, #tpu.memory_space<semaphore_mem>>)
      }
      %scan3A_38 = arith.constant 16 : i32
      %get3A_39 = arith.index_cast %add3A_29 : i32 to index
      %get3A_40 = arith.constant 16 : index
      %get3A_41 = tpu.vector_load %arg6[%get3A_39, %get3A_40] {strides = array<i32>} : memref<104x32xi32, #tpu.memory_space<vmem>>, vector<16xi32>,
      %scan3A_42 = arith.constant 0 : i32
      %scan3A_43 = arith.constant 0 : i32
      %scan3A_44 = arith.constant 16 : i32
      %scan3A_45 = arith.addi %scan3A_43, %scan3A_44 : i32
      %scan3A_46 = arith.constant 1 : i32
      scf.for %scan3A_110 = %scan3A_43 to %scan3A_45 step %scan3A_46  : i32 {
        %eq3A = vector.broadcast %scan3A_110 : i32 to vector<16xi32>
        %eq3A_111 = arith.cmpi eq, %iota3A, %eq3A : vector<16xi32>
        %jit3A = arith.constant 0 : i32
        %broadcast_in_dim3A = vector.broadcast %jit3A : i32 to vector<16xi32>
        %select_n3A = arith.select %eq3A_111, %get3A_41, %broadcast_in_dim3A : vector<16xi1>, vector<16xi32>
        %reduce_sum3A = arith.constant true
        %reduce_sum3A_112 = vector.broadcast %reduce_sum3A : i1 to vector<16xi1>
        %reduce_sum3A_113 = tpu.scan <sum>, %select_n3A masked %reduce_sum3A_112 : vector<16xi32>, vector<16xi1> -> vector<16xi32>
        %reduce_sum3A_114 = vector.extract %reduce_sum3A_113[15] : i32 from vector<16xi32>
        %add3A_115 = arith.constant 16 : i32
        %add3A_116 = arith.addi %add3A_115, %scan3A_110 : i32
        %swap3A = arith.constant 1 : i32
        %swap3A_117 = arith.index_cast %swap3A : i32 to index
        %swap3A_118 = arith.index_cast %add3A_116 : i32 to index
        %swap3A_119 = memref.load %arg7[%swap3A_117, %swap3A_118] : memref<2x32xi32, #tpu.memory_space<smem>>
        memref.store %reduce_sum3A_114, %arg7[%swap3A_117, %swap3A_118] : memref<2x32xi32, #tpu.memory_space<smem>>
        %shift_right_logical3A = arith.constant 3 : i32
        %shift_right_logical3A_120 = arith.shrui %reduce_sum3A_114, %shift_right_logical3A : i32
        %dma_start3A = arith.constant 1 : i32
        %dma_start3A_121 = arith.constant 0 : i32
        %dma_start3A_122 = arith.constant 0 : i32
        %dma_start3A_123 = arith.constant 0 : i32
        %dma_start3A_124 = tpu.memref_slice %arg8[%dma_start3A, %dma_start3A_121, %dma_start3A_122, %dma_start3A_123] : memref<2x32x8x64xf32, #tpu.memory_space<vmem>> -> memref<1x32x8x64xf32, #tpu.memory_space<vmem>>
        %dma_start3A_125 = tpu.memref_squeeze %dma_start3A_124 : memref<1x32x8x64xf32, #tpu.memory_space<vmem>> -> memref<32x8x64xf32, #tpu.memory_space<vmem>>
        %dma_start3A_126 = arith.constant 0 : i32
        %dma_start3A_127 = arith.constant 0 : i32
        %dma_start3A_128 = tpu.memref_slice %dma_start3A_125[%add3A_116, %dma_start3A_126, %dma_start3A_127] : memref<32x8x64xf32, #tpu.memory_space<vmem>> -> memref<1x8x64xf32, #tpu.memory_space<vmem>>
        %dma_start3A_129 = tpu.memref_squeeze %dma_start3A_128 : memref<1x8x64xf32, #tpu.memory_space<vmem>> -> memref<8x64xf32, #tpu.memory_space<vmem>>
        %dma_start3A_130 = arith.constant 0 : i32
        %dma_start3A_131 = arith.constant 0 : i32
        %dma_start3A_132 = tpu.memref_slice %arg3[%shift_right_logical3A_120, %dma_start3A_130, %dma_start3A_131] : memref<325000x8x64xf32, #tpu.memory_space<hbm>> -> memref<1x8x64xf32, #tpu.memory_space<hbm>>
        %dma_start3A_133 = tpu.memref_squeeze %dma_start3A_132 : memref<1x8x64xf32, #tpu.memory_space<hbm>> -> memref<8x64xf32, #tpu.memory_space<hbm>>
        %dma_start3A_134 = arith.constant 0 : i32
        %dma_start3A_135 = arith.constant 0 : i32
        %dma_start3A_136 = arith.constant 0 : i32
        %dma_start3A_137 = tpu.memref_slice %arg8[%dma_start3A, %dma_start3A_134, %dma_start3A_135, %dma_start3A_136] : memref<2x32x8x64xf32, #tpu.memory_space<vmem>> -> memref<1x32x8x64xf32, #tpu.memory_space<vmem>>
        %dma_start3A_138 = tpu.memref_squeeze %dma_start3A_137 : memref<1x32x8x64xf32, #tpu.memory_space<vmem>> -> memref<32x8x64xf32, #tpu.memory_space<vmem>>
        %dma_start3A_139 = arith.constant 0 : i32
        %dma_start3A_140 = arith.constant 0 : i32
        %dma_start3A_141 = tpu.memref_slice %dma_start3A_138[%add3A_116, %dma_start3A_139, %dma_start3A_140] : memref<32x8x64xf32, #tpu.memory_space<vmem>> -> memref<1x8x64xf32, #tpu.memory_space<vmem>>
        %dma_start3A_142 = tpu.memref_squeeze %dma_start3A_141 : memref<1x8x64xf32, #tpu.memory_space<vmem>> -> memref<8x64xf32, #tpu.memory_space<vmem>>
        %dma_start3A_143 = arith.constant 0 : i32
        %dma_start3A_144 = arith.constant 0 : i32
        %dma_start3A_145 = tpu.memref_slice %arg3[%shift_right_logical3A_120, %dma_start3A_143, %dma_start3A_144] : memref<325000x8x64xf32, #tpu.memory_space<hbm>> -> memref<1x8x64xf32, #tpu.memory_space<hbm>>
        %dma_start3A_146 = tpu.memref_squeeze %dma_start3A_145 : memref<1x8x64xf32, #tpu.memory_space<hbm>> -> memref<8x64xf32, #tpu.memory_space<hbm>>
        tpu.enqueue_dma source(%dma_start3A_146 : memref<8x64xf32, #tpu.memory_space<hbm>>) target(%dma_start3A_142 : memref<8x64xf32, #tpu.memory_space<vmem>>) target_semaphore(%arg11 : memref<!tpu.dma_semaphore, #tpu.memory_space<semaphore_mem>>)
      }
      %scan3A_47 = arith.constant 16 : i32
      %dma_wait3A = arith.constant 0 : i32
      %dma_wait3A_48 = arith.constant 0 : i32
      %dma_wait3A_49 = arith.constant 0 : i32
      %dma_wait3A_50 = arith.constant 0 : i32
      %dma_wait3A_51 = tpu.memref_slice %arg8[%dma_wait3A, %dma_wait3A_48, %dma_wait3A_49, %dma_wait3A_50] : memref<2x32x8x64xf32, #tpu.memory_space<vmem>> -> memref<1x32x8x64xf32, #tpu.memory_space<vmem>>
      %dma_wait3A_52 = tpu.memref_squeeze %dma_wait3A_51 : memref<1x32x8x64xf32, #tpu.memory_space<vmem>> -> memref<32x8x64xf32, #tpu.memory_space<vmem>>
      %dma_wait3A_53 = arith.constant 0 : i32
      %dma_wait3A_54 = arith.constant 0 : i32
      %dma_wait3A_55 = arith.constant 0 : i32
      %dma_wait3A_56 = tpu.memref_slice %arg8[%dma_wait3A, %dma_wait3A_53, %dma_wait3A_54, %dma_wait3A_55] : memref<2x32x8x64xf32, #tpu.memory_space<vmem>> -> memref<1x32x8x64xf32, #tpu.memory_space<vmem>>
      %dma_wait3A_57 = tpu.memref_squeeze %dma_wait3A_56 : memref<1x32x8x64xf32, #tpu.memory_space<vmem>> -> memref<32x8x64xf32, #tpu.memory_space<vmem>>
      tpu.wait_dma2 semaphore(%arg10 : memref<!tpu.dma_semaphore, #tpu.memory_space<semaphore_mem>>) src(%arg5 : memref<32x8x64xf32, #tpu.memory_space<hbm>>) dst(%dma_wait3A_57 : memref<32x8x64xf32, #tpu.memory_space<vmem>>)
      %scan3A_58 = arith.constant 0 : i32
      %scan3A_59 = arith.constant 0 : i32
      %scan3A_60 = arith.constant 32 : i32
      %scan3A_61 = arith.addi %scan3A_59, %scan3A_60 : i32
      %scan3A_62 = arith.constant 1 : i32
      scf.for %scan3A_110 = %scan3A_59 to %scan3A_61 step %scan3A_62  : i32 {
        %get3A_111 = arith.constant 0 : i32
        %get3A_112 = arith.index_cast %get3A_111 : i32 to index
        %get3A_113 = arith.index_cast %scan3A_110 : i32 to index
        %get3A_114 = memref.load %arg7[%get3A_112, %get3A_113] : memref<2x32xi32, #tpu.memory_space<smem>>
        %and3A = arith.constant 7 : i32
        %and3A_115 = arith.andi %get3A_114, %and3A : i32
        %shift_right_arithmetic3A = arith.constant 1 : i32
        %shift_right_arithmetic3A_116 = arith.shrsi %scan3A_110, %shift_right_arithmetic3A : i32
        %and3A_117 = arith.constant 1 : i32
        %and3A_118 = arith.andi %scan3A_110, %and3A_117 : i32
        %mul3A_119 = arith.constant 64 : i32
        %mul3A_120 = arith.muli %and3A_118, %mul3A_119 : i32
        %get3A_121 = arith.constant 0 : i32
        %get3A_122 = arith.index_cast %get3A_121 : i32 to index
        %get3A_123 = arith.index_cast %scan3A_110 : i32 to index
        %get3A_124 = arith.index_cast %and3A_115 : i32 to index
        %get3A_125 = arith.constant 0 : index
        %get3A_126 = tpu.vector_load %arg8[%get3A_122, %get3A_123, %get3A_124, %get3A_125] {strides = array<i32>} : memref<2x32x8x64xf32, #tpu.memory_space<vmem>>, vector<16xf32>,
        %add3A_127 = arith.constant 0 : i32
        %add3A_128 = arith.addi %mul3A_120, %add3A_127 : i32
        %swap3A = arith.index_cast %shift_right_arithmetic3A_116 : i32 to index
        %swap3A_129 = arith.index_cast %add3A_128 : i32 to index
        %swap3A_130 = tpu.vector_load %arg9[%swap3A, %swap3A_129] {strides = array<i32>} : memref<16x128xf32, #tpu.memory_space<vmem>>, vector<16xf32>,
        tpu.vector_store %arg9[%swap3A, %swap3A_129], %get3A_126 {strides = array<i32>} : memref<16x128xf32, #tpu.memory_space<vmem>>, vector<16xf32>,
        %get3A_131 = arith.constant 0 : i32
        %get3A_132 = arith.index_cast %get3A_131 : i32 to index
        %get3A_133 = arith.index_cast %scan3A_110 : i32 to index
        %get3A_134 = arith.index_cast %and3A_115 : i32 to index
        %get3A_135 = arith.constant 16 : index
        %get3A_136 = tpu.vector_load %arg8[%get3A_132, %get3A_133, %get3A_134, %get3A_135] {strides = array<i32>} : memref<2x32x8x64xf32, #tpu.memory_space<vmem>>, vector<16xf32>,
        %add3A_137 = arith.constant 16 : i32
        %add3A_138 = arith.addi %mul3A_120, %add3A_137 : i32
        %swap3A_139 = arith.index_cast %shift_right_arithmetic3A_116 : i32 to index
        %swap3A_140 = arith.index_cast %add3A_138 : i32 to index
        %swap3A_141 = tpu.vector_load %arg9[%swap3A_139, %swap3A_140] {strides = array<i32>} : memref<16x128xf32, #tpu.memory_space<vmem>>, vector<16xf32>,
        tpu.vector_store %arg9[%swap3A_139, %swap3A_140], %get3A_136 {strides = array<i32>} : memref<16x128xf32, #tpu.memory_space<vmem>>, vector<16xf32>,
        %get3A_142 = arith.constant 0 : i32
        %get3A_143 = arith.index_cast %get3A_142 : i32 to index
        %get3A_144 = arith.index_cast %scan3A_110 : i32 to index
        %get3A_145 = arith.index_cast %and3A_115 : i32 to index
        %get3A_146 = arith.constant 32 : index
        %get3A_147 = tpu.vector_load %arg8[%get3A_143, %get3A_144, %get3A_145, %get3A_146] {strides = array<i32>} : memref<2x32x8x64xf32, #tpu.memory_space<vmem>>, vector<16xf32>,
        %add3A_148 = arith.constant 32 : i32
        %add3A_149 = arith.addi %mul3A_120, %add3A_148 : i32
        %swap3A_150 = arith.index_cast %shift_right_arithmetic3A_116 : i32 to index
        %swap3A_151 = arith.index_cast %add3A_149 : i32 to index
        %swap3A_152 = tpu.vector_load %arg9[%swap3A_150, %swap3A_151] {strides = array<i32>} : memref<16x128xf32, #tpu.memory_space<vmem>>, vector<16xf32>,
        tpu.vector_store %arg9[%swap3A_150, %swap3A_151], %get3A_147 {strides = array<i32>} : memref<16x128xf32, #tpu.memory_space<vmem>>, vector<16xf32>,
        %get3A_153 = arith.constant 0 : i32
        %get3A_154 = arith.index_cast %get3A_153 : i32 to index
        %get3A_155 = arith.index_cast %scan3A_110 : i32 to index
        %get3A_156 = arith.index_cast %and3A_115 : i32 to index
        %get3A_157 = arith.constant 48 : index
        %get3A_158 = tpu.vector_load %arg8[%get3A_154, %get3A_155, %get3A_156, %get3A_157] {strides = array<i32>} : memref<2x32x8x64xf32, #tpu.memory_space<vmem>>, vector<16xf32>,
        %add3A_159 = arith.constant 48 : i32
        %add3A_160 = arith.addi %mul3A_120, %add3A_159 : i32
        %swap3A_161 = arith.index_cast %shift_right_arithmetic3A_116 : i32 to index
        %swap3A_162 = arith.index_cast %add3A_160 : i32 to index
        %swap3A_163 = tpu.vector_load %arg9[%swap3A_161, %swap3A_162] {strides = array<i32>} : memref<16x128xf32, #tpu.memory_space<vmem>>, vector<16xf32>,
        tpu.vector_store %arg9[%swap3A_161, %swap3A_162], %get3A_158 {strides = array<i32>} : memref<16x128xf32, #tpu.memory_space<vmem>>, vector<16xf32>,
      }
      %scan3A_63 = arith.constant 32 : i32
      %mul3A_64 = arith.constant 104 : i32
      %mul3A_65 = arith.muli %add3A, %mul3A_64 : i32
      %add3A_66 = arith.addi %mul3A_65, %mul3A_27 : i32
      %rem3A = arith.constant 13 : i32
      %rem3A_67 = arith.remsi %add3A_66, %rem3A : i32
      %div3A = arith.constant 13 : i32
      %div3A_68 = arith.divsi %add3A_66, %div3A : i32
      %mul3A_69 = arith.constant 16 : i32
      %mul3A_70 = arith.muli %div3A_68, %mul3A_69 : i32
      %multiple_of3A = tpu.assume_multiple %mul3A_70, 16 : i32
      %mul3A_71 = arith.constant 128 : i32
      %mul3A_72 = arith.muli %rem3A_67, %mul3A_71 : i32
      %multiple_of3A_73 = tpu.assume_multiple %mul3A_72, 128 : i32
      "tpu.region"() ({
        %run_scoped3A = tpu.sem_alloc : memref<!tpu.dma_semaphore, #tpu.memory_space<semaphore_mem>>
        %dma_start3A = tpu.memref_slice %arg4[%multiple_of3A, %multiple_of3A_73] : memref<4096x1664xf32, #tpu.memory_space<hbm>> -> memref<16x128xf32, #tpu.memory_space<hbm>>
        %dma_start3A_110 = tpu.memref_slice %arg4[%multiple_of3A, %multiple_of3A_73] : memref<4096x1664xf32, #tpu.memory_space<hbm>> -> memref<16x128xf32, #tpu.memory_space<hbm>>
        tpu.enqueue_dma source(%arg9 : memref<16x128xf32, #tpu.memory_space<vmem>>) target(%dma_start3A_110 : memref<16x128xf32, #tpu.memory_space<hbm>>) target_semaphore(%run_scoped3A : memref<!tpu.dma_semaphore, #tpu.memory_space<semaphore_mem>>)
        %dma_wait3A_111 = tpu.memref_slice %arg4[%multiple_of3A, %multiple_of3A_73] : memref<4096x1664xf32, #tpu.memory_space<hbm>> -> memref<16x128xf32, #tpu.memory_space<hbm>>
        %dma_wait3A_112 = tpu.memref_slice %arg4[%multiple_of3A, %multiple_of3A_73] : memref<4096x1664xf32, #tpu.memory_space<hbm>> -> memref<16x128xf32, #tpu.memory_space<hbm>>
        tpu.wait_dma2 semaphore(%run_scoped3A : memref<!tpu.dma_semaphore, #tpu.memory_space<semaphore_mem>>) src(%arg9 : memref<16x128xf32, #tpu.memory_space<vmem>>) dst(%dma_wait3A_112 : memref<16x128xf32, #tpu.memory_space<hbm>>)
        tpu.yield
      }) : () -> ()
      %add3A_74 = arith.constant 2 : i32
      %add3A_75 = arith.addi %mul3A_27, %add3A_74 : i32
      %lt3A = arith.constant 104 : i32
      %lt3A_76 = arith.cmpi slt, %add3A_75, %lt3A : i32
      %convert_element_type3A = arith.extui %lt3A_76 : i1 to i32
      %cond3A = arith.constant 0 : i32
      %cond3A_77 = arith.cmpi ne, %convert_element_type3A, %cond3A : i32
      scf.if %cond3A_77 {
        %add3A_110 = arith.constant 2 : i32
        %add3A_111 = arith.addi %mul3A_27, %add3A_110 : i32
        %get3A_112 = arith.index_cast %add3A_111 : i32 to index
        %get3A_113 = arith.constant 0 : index
        %get3A_114 = tpu.vector_load %arg6[%get3A_112, %get3A_113] {strides = array<i32>} : memref<104x32xi32, #tpu.memory_space<vmem>>, vector<16xi32>,
        %scan3A_115 = arith.constant 0 : i32
        %scan3A_116 = arith.constant 0 : i32
        %scan3A_117 = arith.constant 16 : i32
        %scan3A_118 = arith.addi %scan3A_116, %scan3A_117 : i32
        %scan3A_119 = arith.constant 1 : i32
        scf.for %scan3A_130 = %scan3A_116 to %scan3A_118 step %scan3A_119  : i32 {
          %eq3A = vector.broadcast %scan3A_130 : i32 to vector<16xi32>
          %eq3A_131 = arith.cmpi eq, %iota3A, %eq3A : vector<16xi32>
          %jit3A = arith.constant 0 : i32
          %broadcast_in_dim3A = vector.broadcast %jit3A : i32 to vector<16xi32>
          %select_n3A = arith.select %eq3A_131, %get3A_114, %broadcast_in_dim3A : vector<16xi1>, vector<16xi32>
          %reduce_sum3A = arith.constant true
          %reduce_sum3A_132 = vector.broadcast %reduce_sum3A : i1 to vector<16xi1>
          %reduce_sum3A_133 = tpu.scan <sum>, %select_n3A masked %reduce_sum3A_132 : vector<16xi32>, vector<16xi1> -> vector<16xi32>
          %reduce_sum3A_134 = vector.extract %reduce_sum3A_133[15] : i32 from vector<16xi32>
          %add3A_135 = arith.constant 0 : i32
          %add3A_136 = arith.addi %add3A_135, %scan3A_130 : i32
          %swap3A = arith.constant 0 : i32
          %swap3A_137 = arith.index_cast %swap3A : i32 to index
          %swap3A_138 = arith.index_cast %add3A_136 : i32 to index
          %swap3A_139 = memref.load %arg7[%swap3A_137, %swap3A_138] : memref<2x32xi32, #tpu.memory_space<smem>>
          memref.store %reduce_sum3A_134, %arg7[%swap3A_137, %swap3A_138] : memref<2x32xi32, #tpu.memory_space<smem>>
          %shift_right_logical3A = arith.constant 3 : i32
          %shift_right_logical3A_140 = arith.shrui %reduce_sum3A_134, %shift_right_logical3A : i32
          %dma_start3A = arith.constant 0 : i32
          %dma_start3A_141 = arith.constant 0 : i32
          %dma_start3A_142 = arith.constant 0 : i32
          %dma_start3A_143 = arith.constant 0 : i32
          %dma_start3A_144 = tpu.memref_slice %arg8[%dma_start3A, %dma_start3A_141, %dma_start3A_142, %dma_start3A_143] : memref<2x32x8x64xf32, #tpu.memory_space<vmem>> -> memref<1x32x8x64xf32, #tpu.memory_space<vmem>>
          %dma_start3A_145 = tpu.memref_squeeze %dma_start3A_144 : memref<1x32x8x64xf32, #tpu.memory_space<vmem>> -> memref<32x8x64xf32, #tpu.memory_space<vmem>>
          %dma_start3A_146 = arith.constant 0 : i32
          %dma_start3A_147 = arith.constant 0 : i32
          %dma_start3A_148 = tpu.memref_slice %dma_start3A_145[%add3A_136, %dma_start3A_146, %dma_start3A_147] : memref<32x8x64xf32, #tpu.memory_space<vmem>> -> memref<1x8x64xf32, #tpu.memory_space<vmem>>
          %dma_start3A_149 = tpu.memref_squeeze %dma_start3A_148 : memref<1x8x64xf32, #tpu.memory_space<vmem>> -> memref<8x64xf32, #tpu.memory_space<vmem>>
          %dma_start3A_150 = arith.constant 0 : i32
          %dma_start3A_151 = arith.constant 0 : i32
          %dma_start3A_152 = tpu.memref_slice %arg3[%shift_right_logical3A_140, %dma_start3A_150, %dma_start3A_151] : memref<325000x8x64xf32, #tpu.memory_space<hbm>> -> memref<1x8x64xf32, #tpu.memory_space<hbm>>
          %dma_start3A_153 = tpu.memref_squeeze %dma_start3A_152 : memref<1x8x64xf32, #tpu.memory_space<hbm>> -> memref<8x64xf32, #tpu.memory_space<hbm>>
          %dma_start3A_154 = arith.constant 0 : i32
          %dma_start3A_155 = arith.constant 0 : i32
          %dma_start3A_156 = arith.constant 0 : i32
          %dma_start3A_157 = tpu.memref_slice %arg8[%dma_start3A, %dma_start3A_154, %dma_start3A_155, %dma_start3A_156] : memref<2x32x8x64xf32, #tpu.memory_space<vmem>> -> memref<1x32x8x64xf32, #tpu.memory_space<vmem>>
          %dma_start3A_158 = tpu.memref_squeeze %dma_start3A_157 : memref<1x32x8x64xf32, #tpu.memory_space<vmem>> -> memref<32x8x64xf32, #tpu.memory_space<vmem>>
          %dma_start3A_159 = arith.constant 0 : i32
          %dma_start3A_160 = arith.constant 0 : i32
          %dma_start3A_161 = tpu.memref_slice %dma_start3A_158[%add3A_136, %dma_start3A_159, %dma_start3A_160] : memref<32x8x64xf32, #tpu.memory_space<vmem>> -> memref<1x8x64xf32, #tpu.memory_space<vmem>>
          %dma_start3A_162 = tpu.memref_squeeze %dma_start3A_161 : memref<1x8x64xf32, #tpu.memory_space<vmem>> -> memref<8x64xf32, #tpu.memory_space<vmem>>
          %dma_start3A_163 = arith.constant 0 : i32
          %dma_start3A_164 = arith.constant 0 : i32
          %dma_start3A_165 = tpu.memref_slice %arg3[%shift_right_logical3A_140, %dma_start3A_163, %dma_start3A_164] : memref<325000x8x64xf32, #tpu.memory_space<hbm>> -> memref<1x8x64xf32, #tpu.memory_space<hbm>>
          %dma_start3A_166 = tpu.memref_squeeze %dma_start3A_165 : memref<1x8x64xf32, #tpu.memory_space<hbm>> -> memref<8x64xf32, #tpu.memory_space<hbm>>
          tpu.enqueue_dma source(%dma_start3A_166 : memref<8x64xf32, #tpu.memory_space<hbm>>) target(%dma_start3A_162 : memref<8x64xf32, #tpu.memory_space<vmem>>) target_semaphore(%arg10 : memref<!tpu.dma_semaphore, #tpu.memory_space<semaphore_mem>>)
        }
        %scan3A_120 = arith.constant 16 : i32
        %get3A_121 = arith.index_cast %add3A_111 : i32 to index
        %get3A_122 = arith.constant 16 : index
        %get3A_123 = tpu.vector_load %arg6[%get3A_121, %get3A_122] {strides = array<i32>} : memref<104x32xi32, #tpu.memory_space<vmem>>, vector<16xi32>,
        %scan3A_124 = arith.constant 0 : i32
        %scan3A_125 = arith.constant 0 : i32
        %scan3A_126 = arith.constant 16 : i32
        %scan3A_127 = arith.addi %scan3A_125, %scan3A_126 : i32
        %scan3A_128 = arith.constant 1 : i32
        scf.for %scan3A_130 = %scan3A_125 to %scan3A_127 step %scan3A_128  : i32 {
          %eq3A = vector.broadcast %scan3A_130 : i32 to vector<16xi32>
          %eq3A_131 = arith.cmpi eq, %iota3A, %eq3A : vector<16xi32>
          %jit3A = arith.constant 0 : i32
          %broadcast_in_dim3A = vector.broadcast %jit3A : i32 to vector<16xi32>
          %select_n3A = arith.select %eq3A_131, %get3A_123, %broadcast_in_dim3A : vector<16xi1>, vector<16xi32>
          %reduce_sum3A = arith.constant true
          %reduce_sum3A_132 = vector.broadcast %reduce_sum3A : i1 to vector<16xi1>
          %reduce_sum3A_133 = tpu.scan <sum>, %select_n3A masked %reduce_sum3A_132 : vector<16xi32>, vector<16xi1> -> vector<16xi32>
          %reduce_sum3A_134 = vector.extract %reduce_sum3A_133[15] : i32 from vector<16xi32>
          %add3A_135 = arith.constant 16 : i32
          %add3A_136 = arith.addi %add3A_135, %scan3A_130 : i32
          %swap3A = arith.constant 0 : i32
          %swap3A_137 = arith.index_cast %swap3A : i32 to index
          %swap3A_138 = arith.index_cast %add3A_136 : i32 to index
          %swap3A_139 = memref.load %arg7[%swap3A_137, %swap3A_138] : memref<2x32xi32, #tpu.memory_space<smem>>
          memref.store %reduce_sum3A_134, %arg7[%swap3A_137, %swap3A_138] : memref<2x32xi32, #tpu.memory_space<smem>>
          %shift_right_logical3A = arith.constant 3 : i32
          %shift_right_logical3A_140 = arith.shrui %reduce_sum3A_134, %shift_right_logical3A : i32
          %dma_start3A = arith.constant 0 : i32
          %dma_start3A_141 = arith.constant 0 : i32
          %dma_start3A_142 = arith.constant 0 : i32
          %dma_start3A_143 = arith.constant 0 : i32
          %dma_start3A_144 = tpu.memref_slice %arg8[%dma_start3A, %dma_start3A_141, %dma_start3A_142, %dma_start3A_143] : memref<2x32x8x64xf32, #tpu.memory_space<vmem>> -> memref<1x32x8x64xf32, #tpu.memory_space<vmem>>
          %dma_start3A_145 = tpu.memref_squeeze %dma_start3A_144 : memref<1x32x8x64xf32, #tpu.memory_space<vmem>> -> memref<32x8x64xf32, #tpu.memory_space<vmem>>
          %dma_start3A_146 = arith.constant 0 : i32
          %dma_start3A_147 = arith.constant 0 : i32
          %dma_start3A_148 = tpu.memref_slice %dma_start3A_145[%add3A_136, %dma_start3A_146, %dma_start3A_147] : memref<32x8x64xf32, #tpu.memory_space<vmem>> -> memref<1x8x64xf32, #tpu.memory_space<vmem>>
          %dma_start3A_149 = tpu.memref_squeeze %dma_start3A_148 : memref<1x8x64xf32, #tpu.memory_space<vmem>> -> memref<8x64xf32, #tpu.memory_space<vmem>>
          %dma_start3A_150 = arith.constant 0 : i32
          %dma_start3A_151 = arith.constant 0 : i32
          %dma_start3A_152 = tpu.memref_slice %arg3[%shift_right_logical3A_140, %dma_start3A_150, %dma_start3A_151] : memref<325000x8x64xf32, #tpu.memory_space<hbm>> -> memref<1x8x64xf32, #tpu.memory_space<hbm>>
          %dma_start3A_153 = tpu.memref_squeeze %dma_start3A_152 : memref<1x8x64xf32, #tpu.memory_space<hbm>> -> memref<8x64xf32, #tpu.memory_space<hbm>>
          %dma_start3A_154 = arith.constant 0 : i32
          %dma_start3A_155 = arith.constant 0 : i32
          %dma_start3A_156 = arith.constant 0 : i32
          %dma_start3A_157 = tpu.memref_slice %arg8[%dma_start3A, %dma_start3A_154, %dma_start3A_155, %dma_start3A_156] : memref<2x32x8x64xf32, #tpu.memory_space<vmem>> -> memref<1x32x8x64xf32, #tpu.memory_space<vmem>>
          %dma_start3A_158 = tpu.memref_squeeze %dma_start3A_157 : memref<1x32x8x64xf32, #tpu.memory_space<vmem>> -> memref<32x8x64xf32, #tpu.memory_space<vmem>>
          %dma_start3A_159 = arith.constant 0 : i32
          %dma_start3A_160 = arith.constant 0 : i32
          %dma_start3A_161 = tpu.memref_slice %dma_start3A_158[%add3A_136, %dma_start3A_159, %dma_start3A_160] : memref<32x8x64xf32, #tpu.memory_space<vmem>> -> memref<1x8x64xf32, #tpu.memory_space<vmem>>
          %dma_start3A_162 = tpu.memref_squeeze %dma_start3A_161 : memref<1x8x64xf32, #tpu.memory_space<vmem>> -> memref<8x64xf32, #tpu.memory_space<vmem>>
          %dma_start3A_163 = arith.constant 0 : i32
          %dma_start3A_164 = arith.constant 0 : i32
          %dma_start3A_165 = tpu.memref_slice %arg3[%shift_right_logical3A_140, %dma_start3A_163, %dma_start3A_164] : memref<325000x8x64xf32, #tpu.memory_space<hbm>> -> memref<1x8x64xf32, #tpu.memory_space<hbm>>
          %dma_start3A_166 = tpu.memref_squeeze %dma_start3A_165 : memref<1x8x64xf32, #tpu.memory_space<hbm>> -> memref<8x64xf32, #tpu.memory_space<hbm>>
          tpu.enqueue_dma source(%dma_start3A_166 : memref<8x64xf32, #tpu.memory_space<hbm>>) target(%dma_start3A_162 : memref<8x64xf32, #tpu.memory_space<vmem>>) target_semaphore(%arg10 : memref<!tpu.dma_semaphore, #tpu.memory_space<semaphore_mem>>)
        }
        %scan3A_129 = arith.constant 16 : i32
      } else {
      }
      %add3A_78 = arith.constant 1 : i32
      %add3A_79 = arith.addi %mul3A_27, %add3A_78 : i32
      %dma_wait3A_80 = arith.constant 1 : i32
      %dma_wait3A_81 = arith.constant 0 : i32
      %dma_wait3A_82 = arith.constant 0 : i32
      %dma_wait3A_83 = arith.constant 0 : i32
      %dma_wait3A_84 = tpu.memref_slice %arg8[%dma_wait3A_80, %dma_wait3A_81, %dma_wait3A_82, %dma_wait3A_83] : memref<2x32x8x64xf32, #tpu.memory_space<vmem>> -> memref<1x32x8x64xf32, #tpu.memory_space<vmem>>
      %dma_wait3A_85 = tpu.memref_squeeze %dma_wait3A_84 : memref<1x32x8x64xf32, #tpu.memory_space<vmem>> -> memref<32x8x64xf32, #tpu.memory_space<vmem>>
      %dma_wait3A_86 = arith.constant 0 : i32
      %dma_wait3A_87 = arith.constant 0 : i32
      %dma_wait3A_88 = arith.constant 0 : i32
      %dma_wait3A_89 = tpu.memref_slice %arg8[%dma_wait3A_80, %dma_wait3A_86, %dma_wait3A_87, %dma_wait3A_88] : memref<2x32x8x64xf32, #tpu.memory_space<vmem>> -> memref<1x32x8x64xf32, #tpu.memory_space<vmem>>
      %dma_wait3A_90 = tpu.memref_squeeze %dma_wait3A_89 : memref<1x32x8x64xf32, #tpu.memory_space<vmem>> -> memref<32x8x64xf32, #tpu.memory_space<vmem>>
      tpu.wait_dma2 semaphore(%arg11 : memref<!tpu.dma_semaphore, #tpu.memory_space<semaphore_mem>>) src(%arg5 : memref<32x8x64xf32, #tpu.memory_space<hbm>>) dst(%dma_wait3A_90 : memref<32x8x64xf32, #tpu.memory_space<vmem>>)
      %scan3A_91 = arith.constant 0 : i32
      %scan3A_92 = arith.constant 0 : i32
      %scan3A_93 = arith.constant 32 : i32
      %scan3A_94 = arith.addi %scan3A_92, %scan3A_93 : i32
      %scan3A_95 = arith.constant 1 : i32
      scf.for %scan3A_110 = %scan3A_92 to %scan3A_94 step %scan3A_95  : i32 {
        %get3A_111 = arith.constant 1 : i32
        %get3A_112 = arith.index_cast %get3A_111 : i32 to index
        %get3A_113 = arith.index_cast %scan3A_110 : i32 to index
        %get3A_114 = memref.load %arg7[%get3A_112, %get3A_113] : memref<2x32xi32, #tpu.memory_space<smem>>
        %and3A = arith.constant 7 : i32
        %and3A_115 = arith.andi %get3A_114, %and3A : i32
        %shift_right_arithmetic3A = arith.constant 1 : i32
        %shift_right_arithmetic3A_116 = arith.shrsi %scan3A_110, %shift_right_arithmetic3A : i32
        %and3A_117 = arith.constant 1 : i32
        %and3A_118 = arith.andi %scan3A_110, %and3A_117 : i32
        %mul3A_119 = arith.constant 64 : i32
        %mul3A_120 = arith.muli %and3A_118, %mul3A_119 : i32
        %get3A_121 = arith.constant 1 : i32
        %get3A_122 = arith.index_cast %get3A_121 : i32 to index
        %get3A_123 = arith.index_cast %scan3A_110 : i32 to index
        %get3A_124 = arith.index_cast %and3A_115 : i32 to index
        %get3A_125 = arith.constant 0 : index
        %get3A_126 = tpu.vector_load %arg8[%get3A_122, %get3A_123, %get3A_124, %get3A_125] {strides = array<i32>} : memref<2x32x8x64xf32, #tpu.memory_space<vmem>>, vector<16xf32>,
        %add3A_127 = arith.constant 0 : i32
        %add3A_128 = arith.addi %mul3A_120, %add3A_127 : i32
        %swap3A = arith.index_cast %shift_right_arithmetic3A_116 : i32 to index
        %swap3A_129 = arith.index_cast %add3A_128 : i32 to index
        %swap3A_130 = tpu.vector_load %arg9[%swap3A, %swap3A_129] {strides = array<i32>} : memref<16x128xf32, #tpu.memory_space<vmem>>, vector<16xf32>,
        tpu.vector_store %arg9[%swap3A, %swap3A_129], %get3A_126 {strides = array<i32>} : memref<16x128xf32, #tpu.memory_space<vmem>>, vector<16xf32>,
        %get3A_131 = arith.constant 1 : i32
        %get3A_132 = arith.index_cast %get3A_131 : i32 to index
        %get3A_133 = arith.index_cast %scan3A_110 : i32 to index
        %get3A_134 = arith.index_cast %and3A_115 : i32 to index
        %get3A_135 = arith.constant 16 : index
        %get3A_136 = tpu.vector_load %arg8[%get3A_132, %get3A_133, %get3A_134, %get3A_135] {strides = array<i32>} : memref<2x32x8x64xf32, #tpu.memory_space<vmem>>, vector<16xf32>,
        %add3A_137 = arith.constant 16 : i32
        %add3A_138 = arith.addi %mul3A_120, %add3A_137 : i32
        %swap3A_139 = arith.index_cast %shift_right_arithmetic3A_116 : i32 to index
        %swap3A_140 = arith.index_cast %add3A_138 : i32 to index
        %swap3A_141 = tpu.vector_load %arg9[%swap3A_139, %swap3A_140] {strides = array<i32>} : memref<16x128xf32, #tpu.memory_space<vmem>>, vector<16xf32>,
        tpu.vector_store %arg9[%swap3A_139, %swap3A_140], %get3A_136 {strides = array<i32>} : memref<16x128xf32, #tpu.memory_space<vmem>>, vector<16xf32>,
        %get3A_142 = arith.constant 1 : i32
        %get3A_143 = arith.index_cast %get3A_142 : i32 to index
        %get3A_144 = arith.index_cast %scan3A_110 : i32 to index
        %get3A_145 = arith.index_cast %and3A_115 : i32 to index
        %get3A_146 = arith.constant 32 : index
        %get3A_147 = tpu.vector_load %arg8[%get3A_143, %get3A_144, %get3A_145, %get3A_146] {strides = array<i32>} : memref<2x32x8x64xf32, #tpu.memory_space<vmem>>, vector<16xf32>,
        %add3A_148 = arith.constant 32 : i32
        %add3A_149 = arith.addi %mul3A_120, %add3A_148 : i32
        %swap3A_150 = arith.index_cast %shift_right_arithmetic3A_116 : i32 to index
        %swap3A_151 = arith.index_cast %add3A_149 : i32 to index
        %swap3A_152 = tpu.vector_load %arg9[%swap3A_150, %swap3A_151] {strides = array<i32>} : memref<16x128xf32, #tpu.memory_space<vmem>>, vector<16xf32>,
        tpu.vector_store %arg9[%swap3A_150, %swap3A_151], %get3A_147 {strides = array<i32>} : memref<16x128xf32, #tpu.memory_space<vmem>>, vector<16xf32>,
        %get3A_153 = arith.constant 1 : i32
        %get3A_154 = arith.index_cast %get3A_153 : i32 to index
        %get3A_155 = arith.index_cast %scan3A_110 : i32 to index
        %get3A_156 = arith.index_cast %and3A_115 : i32 to index
        %get3A_157 = arith.constant 48 : index
        %get3A_158 = tpu.vector_load %arg8[%get3A_154, %get3A_155, %get3A_156, %get3A_157] {strides = array<i32>} : memref<2x32x8x64xf32, #tpu.memory_space<vmem>>, vector<16xf32>,
        %add3A_159 = arith.constant 48 : i32
        %add3A_160 = arith.addi %mul3A_120, %add3A_159 : i32
        %swap3A_161 = arith.index_cast %shift_right_arithmetic3A_116 : i32 to index
        %swap3A_162 = arith.index_cast %add3A_160 : i32 to index
        %swap3A_163 = tpu.vector_load %arg9[%swap3A_161, %swap3A_162] {strides = array<i32>} : memref<16x128xf32, #tpu.memory_space<vmem>>, vector<16xf32>,
        tpu.vector_store %arg9[%swap3A_161, %swap3A_162], %get3A_158 {strides = array<i32>} : memref<16x128xf32, #tpu.memory_space<vmem>>, vector<16xf32>,
      }
      %scan3A_96 = arith.constant 32 : i32
      %mul3A_97 = arith.constant 104 : i32
      %mul3A_98 = arith.muli %add3A, %mul3A_97 : i32
      %add3A_99 = arith.addi %mul3A_98, %add3A_79 : i32
      %rem3A_100 = arith.constant 13 : i32
      %rem3A_101 = arith.remsi %add3A_99, %rem3A_100 : i32
      %div3A_102 = arith.constant 13 : i32
      %div3A_103 = arith.divsi %add3A_99, %div3A_102 : i32
      %mul3A_104 = arith.constant 16 : i32
      %mul3A_105 = arith.muli %div3A_103, %mul3A_104 : i32
      %multiple_of3A_106 = tpu.assume_multiple %mul3A_105, 16 : i32
      %mul3A_107 = arith.constant 128 : i32
      %mul3A_108 = arith.muli %rem3A_101, %mul3A_107 : i32
      %multiple_of3A_109 = tpu.assume_multiple %mul3A_108, 128 : i32
      "tpu.region"() ({
        %run_scoped3A = tpu.sem_alloc : memref<!tpu.dma_semaphore, #tpu.memory_space<semaphore_mem>>
        %dma_start3A = tpu.memref_slice %arg4[%multiple_of3A_106, %multiple_of3A_109] : memref<4096x1664xf32, #tpu.memory_space<hbm>> -> memref<16x128xf32, #tpu.memory_space<hbm>>
        %dma_start3A_110 = tpu.memref_slice %arg4[%multiple_of3A_106, %multiple_of3A_109] : memref<4096x1664xf32, #tpu.memory_space<hbm>> -> memref<16x128xf32, #tpu.memory_space<hbm>>
        tpu.enqueue_dma source(%arg9 : memref<16x128xf32, #tpu.memory_space<vmem>>) target(%dma_start3A_110 : memref<16x128xf32, #tpu.memory_space<hbm>>) target_semaphore(%run_scoped3A : memref<!tpu.dma_semaphore, #tpu.memory_space<semaphore_mem>>)
        %dma_wait3A_111 = tpu.memref_slice %arg4[%multiple_of3A_106, %multiple_of3A_109] : memref<4096x1664xf32, #tpu.memory_space<hbm>> -> memref<16x128xf32, #tpu.memory_space<hbm>>
        %dma_wait3A_112 = tpu.memref_slice %arg4[%multiple_of3A_106, %multiple_of3A_109] : memref<4096x1664xf32, #tpu.memory_space<hbm>> -> memref<16x128xf32, #tpu.memory_space<hbm>>
        tpu.wait_dma2 semaphore(%run_scoped3A : memref<!tpu.dma_semaphore, #tpu.memory_space<semaphore_mem>>) src(%arg9 : memref<16x128xf32, #tpu.memory_space<vmem>>) dst(%dma_wait3A_112 : memref<16x128xf32, #tpu.memory_space<hbm>>)
        tpu.yield
      }) : () -> ()
    }
    %scan3A_24 = arith.constant 52 : i32
    return
  }
}

module attributes {stable_mosaic.version = 14 : i64} {
  func.func @_tc_body(%arg0: i32, %arg1: memref<512x1664xf32, #tpu.memory_space<vmem>>, %arg2: memref<512x416xf32, #tpu.memory_space<vmem>>, %arg3: memref<512x416xf32, #tpu.memory_space<vmem>>, %arg4: memref<1x1xf32, #tpu.memory_space<vmem>>, %arg5: memref<1664x400xf32, #tpu.memory_space<vmem>>, %arg6: memref<1x400xf32, #tpu.memory_space<vmem>>, %arg7: memref<1x400xf32, #tpu.memory_space<vmem>>, %arg8: memref<1x400xf32, #tpu.memory_space<vmem>>, %arg9: memref<400x400xf32, #tpu.memory_space<vmem>>, %arg10: memref<1x400xf32, #tpu.memory_space<vmem>>, %arg11: memref<1x400xf32, #tpu.memory_space<vmem>>, %arg12: memref<1x400xf32, #tpu.memory_space<vmem>>, %arg13: memref<400x400xf32, #tpu.memory_space<vmem>>, %arg14: memref<1x400xf32, #tpu.memory_space<vmem>>, %arg15: memref<1x400xf32, #tpu.memory_space<vmem>>, %arg16: memref<1x400xf32, #tpu.memory_space<vmem>>, %arg17: memref<400x1xf32, #tpu.memory_space<vmem>>, %arg18: memref<1x1xf32, #tpu.memory_space<vmem>>, %arg19: memref<512x1xf32, #tpu.memory_space<vmem>>) attributes {dimension_semantics = [#tpu.dimension_semantics<arbitrary>], iteration_bounds = array<i64: 8>, scalar_prefetch = 0 : i64, scratch_operands = 0 : i64, tpu.core_type = #tpu.core_type<tc>, window_params = [{transform_indices = @transform_0, window_bounds = array<i64: 512, 1664>}, {transform_indices = @transform_1, window_bounds = array<i64: 512, 416>}, {transform_indices = @transform_2, window_bounds = array<i64: 512, 416>}, {pipeline_mode = #tpu.pipeline_mode<synchronous>, transform_indices = @transform_3, window_bounds = array<i64: 1, 1>}, {pipeline_mode = #tpu.pipeline_mode<synchronous>, transform_indices = @transform_4, window_bounds = array<i64: 1664, 400>}, {pipeline_mode = #tpu.pipeline_mode<synchronous>, transform_indices = @transform_5, window_bounds = array<i64: 1, 400>}, {pipeline_mode = #tpu.pipeline_mode<synchronous>, transform_indices = @transform_6, window_bounds = array<i64: 1, 400>}, {pipeline_mode = #tpu.pipeline_mode<synchronous>, transform_indices = @transform_7, window_bounds = array<i64: 1, 400>}, {pipeline_mode = #tpu.pipeline_mode<synchronous>, transform_indices = @transform_8, window_bounds = array<i64: 400, 400>}, {pipeline_mode = #tpu.pipeline_mode<synchronous>, transform_indices = @transform_9, window_bounds = array<i64: 1, 400>}, {pipeline_mode = #tpu.pipeline_mode<synchronous>, transform_indices = @transform_10, window_bounds = array<i64: 1, 400>}, {pipeline_mode = #tpu.pipeline_mode<synchronous>, transform_indices = @transform_11, window_bounds = array<i64: 1, 400>}, {pipeline_mode = #tpu.pipeline_mode<synchronous>, transform_indices = @transform_12, window_bounds = array<i64: 400, 400>}, {pipeline_mode = #tpu.pipeline_mode<synchronous>, transform_indices = @transform_13, window_bounds = array<i64: 1, 400>}, {pipeline_mode = #tpu.pipeline_mode<synchronous>, transform_indices = @transform_14, window_bounds = array<i64: 1, 400>}, {pipeline_mode = #tpu.pipeline_mode<synchronous>, transform_indices = @transform_15, window_bounds = array<i64: 1, 400>}, {pipeline_mode = #tpu.pipeline_mode<synchronous>, transform_indices = @transform_16, window_bounds = array<i64: 400, 1>}, {pipeline_mode = #tpu.pipeline_mode<synchronous>, transform_indices = @transform_17, window_bounds = array<i64: 1, 1>}, {transform_indices = @transform_18, window_bounds = array<i64: 512, 1>}]} {
    %rsqrt3A = arith.constant 1.001000e+00 : f32
    %rsqrt3A_0 = math.rsqrt %rsqrt3A : f32
    %get3A = arith.constant 0 : index
    %get3A_1 = arith.constant 0 : index
    %get3A_2 = vector.load %arg1[%get3A, %get3A_1] : memref<512x1664xf32, #tpu.memory_space<vmem>>, vector<512x1664xf32>
    %slice3A = vector.extract_strided_slice %get3A_2 {offsets = [0, 0], sizes = [512, 64], strides = [1, 1]} : vector<512x1664xf32> to vector<512x64xf32>
    %slice3A_3 = vector.extract_strided_slice %get3A_2 {offsets = [0, 64], sizes = [512, 64], strides = [1, 1]} : vector<512x1664xf32> to vector<512x64xf32>
    %add3A = arith.addf %slice3A, %slice3A_3 : vector<512x64xf32>
    %slice3A_4 = vector.extract_strided_slice %get3A_2 {offsets = [0, 128], sizes = [512, 64], strides = [1, 1]} : vector<512x1664xf32> to vector<512x64xf32>
    %add3A_5 = arith.addf %add3A, %slice3A_4 : vector<512x64xf32>
    %slice3A_6 = vector.extract_strided_slice %get3A_2 {offsets = [0, 192], sizes = [512, 64], strides = [1, 1]} : vector<512x1664xf32> to vector<512x64xf32>
    %add3A_7 = arith.addf %add3A_5, %slice3A_6 : vector<512x64xf32>
    %slice3A_8 = vector.extract_strided_slice %get3A_2 {offsets = [0, 256], sizes = [512, 64], strides = [1, 1]} : vector<512x1664xf32> to vector<512x64xf32>
    %add3A_9 = arith.addf %add3A_7, %slice3A_8 : vector<512x64xf32>
    %slice3A_10 = vector.extract_strided_slice %get3A_2 {offsets = [0, 320], sizes = [512, 64], strides = [1, 1]} : vector<512x1664xf32> to vector<512x64xf32>
    %add3A_11 = arith.addf %add3A_9, %slice3A_10 : vector<512x64xf32>
    %slice3A_12 = vector.extract_strided_slice %get3A_2 {offsets = [0, 384], sizes = [512, 64], strides = [1, 1]} : vector<512x1664xf32> to vector<512x64xf32>
    %add3A_13 = arith.addf %add3A_11, %slice3A_12 : vector<512x64xf32>
    %slice3A_14 = vector.extract_strided_slice %get3A_2 {offsets = [0, 448], sizes = [512, 64], strides = [1, 1]} : vector<512x1664xf32> to vector<512x64xf32>
    %add3A_15 = arith.addf %add3A_13, %slice3A_14 : vector<512x64xf32>
    %slice3A_16 = vector.extract_strided_slice %get3A_2 {offsets = [0, 512], sizes = [512, 64], strides = [1, 1]} : vector<512x1664xf32> to vector<512x64xf32>
    %add3A_17 = arith.addf %add3A_15, %slice3A_16 : vector<512x64xf32>
    %slice3A_18 = vector.extract_strided_slice %get3A_2 {offsets = [0, 576], sizes = [512, 64], strides = [1, 1]} : vector<512x1664xf32> to vector<512x64xf32>
    %add3A_19 = arith.addf %add3A_17, %slice3A_18 : vector<512x64xf32>
    %slice3A_20 = vector.extract_strided_slice %get3A_2 {offsets = [0, 640], sizes = [512, 64], strides = [1, 1]} : vector<512x1664xf32> to vector<512x64xf32>
    %add3A_21 = arith.addf %add3A_19, %slice3A_20 : vector<512x64xf32>
    %slice3A_22 = vector.extract_strided_slice %get3A_2 {offsets = [0, 704], sizes = [512, 64], strides = [1, 1]} : vector<512x1664xf32> to vector<512x64xf32>
    %add3A_23 = arith.addf %add3A_21, %slice3A_22 : vector<512x64xf32>
    %slice3A_24 = vector.extract_strided_slice %get3A_2 {offsets = [0, 768], sizes = [512, 64], strides = [1, 1]} : vector<512x1664xf32> to vector<512x64xf32>
    %add3A_25 = arith.addf %add3A_23, %slice3A_24 : vector<512x64xf32>
    %slice3A_26 = vector.extract_strided_slice %get3A_2 {offsets = [0, 832], sizes = [512, 64], strides = [1, 1]} : vector<512x1664xf32> to vector<512x64xf32>
    %add3A_27 = arith.addf %add3A_25, %slice3A_26 : vector<512x64xf32>
    %slice3A_28 = vector.extract_strided_slice %get3A_2 {offsets = [0, 896], sizes = [512, 64], strides = [1, 1]} : vector<512x1664xf32> to vector<512x64xf32>
    %add3A_29 = arith.addf %add3A_27, %slice3A_28 : vector<512x64xf32>
    %slice3A_30 = vector.extract_strided_slice %get3A_2 {offsets = [0, 960], sizes = [512, 64], strides = [1, 1]} : vector<512x1664xf32> to vector<512x64xf32>
    %add3A_31 = arith.addf %add3A_29, %slice3A_30 : vector<512x64xf32>
    %slice3A_32 = vector.extract_strided_slice %get3A_2 {offsets = [0, 1024], sizes = [512, 64], strides = [1, 1]} : vector<512x1664xf32> to vector<512x64xf32>
    %add3A_33 = arith.addf %add3A_31, %slice3A_32 : vector<512x64xf32>
    %slice3A_34 = vector.extract_strided_slice %get3A_2 {offsets = [0, 1088], sizes = [512, 64], strides = [1, 1]} : vector<512x1664xf32> to vector<512x64xf32>
    %add3A_35 = arith.addf %add3A_33, %slice3A_34 : vector<512x64xf32>
    %slice3A_36 = vector.extract_strided_slice %get3A_2 {offsets = [0, 1152], sizes = [512, 64], strides = [1, 1]} : vector<512x1664xf32> to vector<512x64xf32>
    %add3A_37 = arith.addf %add3A_35, %slice3A_36 : vector<512x64xf32>
    %slice3A_38 = vector.extract_strided_slice %get3A_2 {offsets = [0, 1216], sizes = [512, 64], strides = [1, 1]} : vector<512x1664xf32> to vector<512x64xf32>
    %add3A_39 = arith.addf %add3A_37, %slice3A_38 : vector<512x64xf32>
    %slice3A_40 = vector.extract_strided_slice %get3A_2 {offsets = [0, 1280], sizes = [512, 64], strides = [1, 1]} : vector<512x1664xf32> to vector<512x64xf32>
    %add3A_41 = arith.addf %add3A_39, %slice3A_40 : vector<512x64xf32>
    %slice3A_42 = vector.extract_strided_slice %get3A_2 {offsets = [0, 1344], sizes = [512, 64], strides = [1, 1]} : vector<512x1664xf32> to vector<512x64xf32>
    %add3A_43 = arith.addf %add3A_41, %slice3A_42 : vector<512x64xf32>
    %slice3A_44 = vector.extract_strided_slice %get3A_2 {offsets = [0, 1408], sizes = [512, 64], strides = [1, 1]} : vector<512x1664xf32> to vector<512x64xf32>
    %add3A_45 = arith.addf %add3A_43, %slice3A_44 : vector<512x64xf32>
    %slice3A_46 = vector.extract_strided_slice %get3A_2 {offsets = [0, 1472], sizes = [512, 64], strides = [1, 1]} : vector<512x1664xf32> to vector<512x64xf32>
    %add3A_47 = arith.addf %add3A_45, %slice3A_46 : vector<512x64xf32>
    %slice3A_48 = vector.extract_strided_slice %get3A_2 {offsets = [0, 1536], sizes = [512, 64], strides = [1, 1]} : vector<512x1664xf32> to vector<512x64xf32>
    %add3A_49 = arith.addf %add3A_47, %slice3A_48 : vector<512x64xf32>
    %slice3A_50 = vector.extract_strided_slice %get3A_2 {offsets = [0, 1600], sizes = [512, 64], strides = [1, 1]} : vector<512x1664xf32> to vector<512x64xf32>
    %add3A_51 = arith.addf %add3A_49, %slice3A_50 : vector<512x64xf32>
    %mul3A = arith.mulf %add3A_51, %add3A_51 : vector<512x64xf32>
    %reduce_sum3A = arith.constant dense<0.000000e+00> : vector<512xf32>
    %reduce_sum3A_52 = vector.multi_reduction <add>, %mul3A, %reduce_sum3A [1] : vector<512x64xf32> to vector<512xf32>
    %broadcast_in_dim3A = vector.shape_cast %reduce_sum3A_52 : vector<512xf32> to vector<512x1xf32>
    %mul3A_53 = arith.mulf %get3A_2, %get3A_2 : vector<512x1664xf32>
    %reduce_sum3A_54 = arith.constant dense<0.000000e+00> : vector<512xf32>
    %reduce_sum3A_55 = vector.multi_reduction <add>, %mul3A_53, %reduce_sum3A_54 [1] : vector<512x1664xf32> to vector<512xf32>
    %broadcast_in_dim3A_56 = vector.shape_cast %reduce_sum3A_55 : vector<512xf32> to vector<512x1xf32>
    %sub3A = arith.subf %broadcast_in_dim3A, %broadcast_in_dim3A_56 : vector<512x1xf32>
    %mul3A_57 = arith.constant 5.000000e-01 : f32
    %mul3A_58 = vector.broadcast %mul3A_57 : f32 to vector<512x1xf32>
    %mul3A_59 = arith.mulf %mul3A_58, %sub3A : vector<512x1xf32>
    %get3A_60 = arith.constant 0 : index
    %get3A_61 = arith.constant 0 : index
    %get3A_62 = vector.load %arg2[%get3A_60, %get3A_61] : memref<512x416xf32, #tpu.memory_space<vmem>>, vector<512x416xf32>
    %get3A_63 = arith.constant 0 : index
    %get3A_64 = arith.constant 0 : index
    %get3A_65 = vector.load %arg3[%get3A_63, %get3A_64] : memref<512x416xf32, #tpu.memory_space<vmem>>, vector<512x416xf32>
    %mul3A_66 = arith.mulf %get3A_62, %get3A_65 : vector<512x416xf32>
    %reduce_sum3A_67 = arith.constant dense<0.000000e+00> : vector<512xf32>
    %reduce_sum3A_68 = vector.multi_reduction <add>, %mul3A_66, %reduce_sum3A_67 [1] : vector<512x416xf32> to vector<512xf32>
    %broadcast_in_dim3A_69 = vector.shape_cast %reduce_sum3A_68 : vector<512xf32> to vector<512x1xf32>
    %get3A_70 = arith.constant 0 : index
    %get3A_71 = arith.constant 0 : index
    %get3A_72 = vector.load %arg4[%get3A_70, %get3A_71] : memref<1x1xf32, #tpu.memory_space<vmem>>, vector<1x1xf32>
    %get3A_73 = vector.extract %get3A_72[0, 0] : f32 from vector<1x1xf32>
    %add3A_74 = vector.broadcast %get3A_73 : f32 to vector<512x1xf32>
    %add3A_75 = arith.addf %broadcast_in_dim3A_69, %add3A_74 : vector<512x1xf32>
    %get3A_76 = arith.constant 0 : index
    %get3A_77 = arith.constant 0 : index
    %get3A_78 = vector.load %arg5[%get3A_76, %get3A_77] : memref<1664x400xf32, #tpu.memory_space<vmem>>, vector<1664x400xf32>
    %dot_general3A = arith.constant dense<0.000000e+00> : vector<512x400xf32>
    %dot_general3A_79 = tpu.matmul %get3A_2, %get3A_78, %dot_general3A {dimension_numbers = #tpu.dot_dimension_numbers<[1], [0], [0], [1], [0, 0, 1, 1], [], []>, transpose_lhs_hint = false} : vector<512x1664xf32>, vector<1664x400xf32>, vector<512x400xf32> -> vector<512x400xf32>
    %get3A_80 = arith.constant 0 : index
    %get3A_81 = arith.constant 0 : index
    %get3A_82 = vector.load %arg7[%get3A_80, %get3A_81] : memref<1x400xf32, #tpu.memory_space<vmem>>, vector<1x400xf32>
    %mul3A_83 = vector.broadcast %rsqrt3A_0 : f32 to vector<1x400xf32>
    %mul3A_84 = arith.mulf %get3A_82, %mul3A_83 : vector<1x400xf32>
    %get3A_85 = arith.constant 0 : index
    %get3A_86 = arith.constant 0 : index
    %get3A_87 = vector.load %arg6[%get3A_85, %get3A_86] : memref<1x400xf32, #tpu.memory_space<vmem>>, vector<1x400xf32>
    %mul3A_88 = arith.mulf %get3A_87, %mul3A_84 : vector<1x400xf32>
    %get3A_89 = arith.constant 0 : index
    %get3A_90 = arith.constant 0 : index
    %get3A_91 = vector.load %arg8[%get3A_89, %get3A_90] : memref<1x400xf32, #tpu.memory_space<vmem>>, vector<1x400xf32>
    %add3A_92 = arith.addf %mul3A_88, %get3A_91 : vector<1x400xf32>
    %mul3A_93 = vector.broadcast %mul3A_84 : vector<1x400xf32> to vector<512x400xf32>
    %mul3A_94 = arith.mulf %dot_general3A_79, %mul3A_93 : vector<512x400xf32>
    %add3A_95 = vector.broadcast %add3A_92 : vector<1x400xf32> to vector<512x400xf32>
    %add3A_96 = arith.addf %mul3A_94, %add3A_95 : vector<512x400xf32>
    %max3A = arith.constant 0.000000e+00 : f32
    %max3A_97 = vector.broadcast %max3A : f32 to vector<512x400xf32>
    %max3A_98 = arith.maximumf %add3A_96, %max3A_97 : vector<512x400xf32>
    %get3A_99 = arith.constant 0 : index
    %get3A_100 = arith.constant 0 : index
    %get3A_101 = vector.load %arg9[%get3A_99, %get3A_100] : memref<400x400xf32, #tpu.memory_space<vmem>>, vector<400x400xf32>
    %dot_general3A_102 = arith.constant dense<0.000000e+00> : vector<512x400xf32>
    %dot_general3A_103 = tpu.matmul %max3A_98, %get3A_101, %dot_general3A_102 {dimension_numbers = #tpu.dot_dimension_numbers<[1], [0], [0], [1], [0, 0, 1, 1], [], []>, transpose_lhs_hint = false} : vector<512x400xf32>, vector<400x400xf32>, vector<512x400xf32> -> vector<512x400xf32>
    %get3A_104 = arith.constant 0 : index
    %get3A_105 = arith.constant 0 : index
    %get3A_106 = vector.load %arg11[%get3A_104, %get3A_105] : memref<1x400xf32, #tpu.memory_space<vmem>>, vector<1x400xf32>
    %mul3A_107 = vector.broadcast %rsqrt3A_0 : f32 to vector<1x400xf32>
    %mul3A_108 = arith.mulf %get3A_106, %mul3A_107 : vector<1x400xf32>
    %get3A_109 = arith.constant 0 : index
    %get3A_110 = arith.constant 0 : index
    %get3A_111 = vector.load %arg10[%get3A_109, %get3A_110] : memref<1x400xf32, #tpu.memory_space<vmem>>, vector<1x400xf32>
    %mul3A_112 = arith.mulf %get3A_111, %mul3A_108 : vector<1x400xf32>
    %get3A_113 = arith.constant 0 : index
    %get3A_114 = arith.constant 0 : index
    %get3A_115 = vector.load %arg12[%get3A_113, %get3A_114] : memref<1x400xf32, #tpu.memory_space<vmem>>, vector<1x400xf32>
    %add3A_116 = arith.addf %mul3A_112, %get3A_115 : vector<1x400xf32>
    %mul3A_117 = vector.broadcast %mul3A_108 : vector<1x400xf32> to vector<512x400xf32>
    %mul3A_118 = arith.mulf %dot_general3A_103, %mul3A_117 : vector<512x400xf32>
    %add3A_119 = vector.broadcast %add3A_116 : vector<1x400xf32> to vector<512x400xf32>
    %add3A_120 = arith.addf %mul3A_118, %add3A_119 : vector<512x400xf32>
    %max3A_121 = arith.constant 0.000000e+00 : f32
    %max3A_122 = vector.broadcast %max3A_121 : f32 to vector<512x400xf32>
    %max3A_123 = arith.maximumf %add3A_120, %max3A_122 : vector<512x400xf32>
    %get3A_124 = arith.constant 0 : index
    %get3A_125 = arith.constant 0 : index
    %get3A_126 = vector.load %arg13[%get3A_124, %get3A_125] : memref<400x400xf32, #tpu.memory_space<vmem>>, vector<400x400xf32>
    %dot_general3A_127 = arith.constant dense<0.000000e+00> : vector<512x400xf32>
    %dot_general3A_128 = tpu.matmul %max3A_123, %get3A_126, %dot_general3A_127 {dimension_numbers = #tpu.dot_dimension_numbers<[1], [0], [0], [1], [0, 0, 1, 1], [], []>, transpose_lhs_hint = false} : vector<512x400xf32>, vector<400x400xf32>, vector<512x400xf32> -> vector<512x400xf32>
    %get3A_129 = arith.constant 0 : index
    %get3A_130 = arith.constant 0 : index
    %get3A_131 = vector.load %arg15[%get3A_129, %get3A_130] : memref<1x400xf32, #tpu.memory_space<vmem>>, vector<1x400xf32>
    %mul3A_132 = vector.broadcast %rsqrt3A_0 : f32 to vector<1x400xf32>
    %mul3A_133 = arith.mulf %get3A_131, %mul3A_132 : vector<1x400xf32>
    %get3A_134 = arith.constant 0 : index
    %get3A_135 = arith.constant 0 : index
    %get3A_136 = vector.load %arg14[%get3A_134, %get3A_135] : memref<1x400xf32, #tpu.memory_space<vmem>>, vector<1x400xf32>
    %mul3A_137 = arith.mulf %get3A_136, %mul3A_133 : vector<1x400xf32>
    %get3A_138 = arith.constant 0 : index
    %get3A_139 = arith.constant 0 : index
    %get3A_140 = vector.load %arg16[%get3A_138, %get3A_139] : memref<1x400xf32, #tpu.memory_space<vmem>>, vector<1x400xf32>
    %add3A_141 = arith.addf %mul3A_137, %get3A_140 : vector<1x400xf32>
    %mul3A_142 = vector.broadcast %mul3A_133 : vector<1x400xf32> to vector<512x400xf32>
    %mul3A_143 = arith.mulf %dot_general3A_128, %mul3A_142 : vector<512x400xf32>
    %add3A_144 = vector.broadcast %add3A_141 : vector<1x400xf32> to vector<512x400xf32>
    %add3A_145 = arith.addf %mul3A_143, %add3A_144 : vector<512x400xf32>
    %max3A_146 = arith.constant 0.000000e+00 : f32
    %max3A_147 = vector.broadcast %max3A_146 : f32 to vector<512x400xf32>
    %max3A_148 = arith.maximumf %add3A_145, %max3A_147 : vector<512x400xf32>
    %get3A_149 = arith.constant 0 : index
    %get3A_150 = arith.constant 0 : index
    %get3A_151 = vector.load %arg17[%get3A_149, %get3A_150] : memref<400x1xf32, #tpu.memory_space<vmem>>, vector<400x1xf32>
    %dot_general3A_152 = arith.constant dense<0.000000e+00> : vector<512x1xf32>
    %dot_general3A_153 = tpu.matmul %max3A_148, %get3A_151, %dot_general3A_152 {dimension_numbers = #tpu.dot_dimension_numbers<[1], [0], [0], [1], [0, 0, 1, 1], [], []>, transpose_lhs_hint = false} : vector<512x400xf32>, vector<400x1xf32>, vector<512x1xf32> -> vector<512x1xf32>
    %get3A_154 = arith.constant 0 : index
    %get3A_155 = arith.constant 0 : index
    %get3A_156 = vector.load %arg18[%get3A_154, %get3A_155] : memref<1x1xf32, #tpu.memory_space<vmem>>, vector<1x1xf32>
    %get3A_157 = vector.extract %get3A_156[0, 0] : f32 from vector<1x1xf32>
    %add3A_158 = vector.broadcast %get3A_157 : f32 to vector<512x1xf32>
    %add3A_159 = arith.addf %dot_general3A_153, %add3A_158 : vector<512x1xf32>
    %add3A_160 = arith.addf %add3A_75, %mul3A_59 : vector<512x1xf32>
    %add3A_161 = arith.addf %add3A_160, %add3A_159 : vector<512x1xf32>
    %neg3A = arith.constant 0.000000e+00 : f32
    %neg3A_162 = vector.broadcast %neg3A : f32 to vector<512x1xf32>
    %neg3A_163 = arith.subf %neg3A_162, %add3A_161 : vector<512x1xf32>
    %exp3A = math.exp %neg3A_163 : vector<512x1xf32>
    %add3A_164 = arith.constant 1.000000e+00 : f32
    %add3A_165 = vector.broadcast %add3A_164 : f32 to vector<512x1xf32>
    %add3A_166 = arith.addf %add3A_165, %exp3A : vector<512x1xf32>
    %div3A = arith.constant 1.000000e+00 : f32
    %div3A_167 = vector.broadcast %div3A : f32 to vector<512x1xf32>
    %div3A_168 = arith.divf %div3A_167, %add3A_166 : vector<512x1xf32>
    %swap3A = arith.constant 0 : index
    %swap3A_169 = arith.constant 0 : index
    %swap3A_170 = vector.load %arg19[%swap3A, %swap3A_169] : memref<512x1xf32, #tpu.memory_space<vmem>>, vector<512x1xf32>
    tpu.vector_store %arg19[%swap3A, %swap3A_169], %div3A_168 {strides = array<i32>} : memref<512x1xf32, #tpu.memory_space<vmem>>, vector<512x1xf32>,
    return
  }
  func.func @transform_0(%arg0: i32) -> (i32, i32) {
    %c0_i32 = arith.constant 0 : i32
    %c0_i32_0 = arith.constant 0 : i32
    return %arg0, %c0_i32 : i32, i32
  }
  func.func @transform_1(%arg0: i32) -> (i32, i32) {
    %c0_i32 = arith.constant 0 : i32
    %c0_i32_0 = arith.constant 0 : i32
    return %arg0, %c0_i32 : i32, i32
  }
  func.func @transform_2(%arg0: i32) -> (i32, i32) {
    %c0_i32 = arith.constant 0 : i32
    %c0_i32_0 = arith.constant 0 : i32
    return %arg0, %c0_i32 : i32, i32
  }
  func.func @transform_3(%arg0: i32) -> (i32, i32) {
    %c0_i32 = arith.constant 0 : i32
    %c0_i32_0 = arith.constant 0 : i32
    %c0_i32_1 = arith.constant 0 : i32
    return %c0_i32, %c0_i32_0 : i32, i32
  }
  func.func @transform_4(%arg0: i32) -> (i32, i32) {
    %c0_i32 = arith.constant 0 : i32
    %c0_i32_0 = arith.constant 0 : i32
    %c0_i32_1 = arith.constant 0 : i32
    return %c0_i32, %c0_i32_0 : i32, i32
  }
  func.func @transform_5(%arg0: i32) -> (i32, i32) {
    %c0_i32 = arith.constant 0 : i32
    %c0_i32_0 = arith.constant 0 : i32
    %c0_i32_1 = arith.constant 0 : i32
    return %c0_i32, %c0_i32_0 : i32, i32
  }
  func.func @transform_6(%arg0: i32) -> (i32, i32) {
    %c0_i32 = arith.constant 0 : i32
    %c0_i32_0 = arith.constant 0 : i32
    %c0_i32_1 = arith.constant 0 : i32
    return %c0_i32, %c0_i32_0 : i32, i32
  }
  func.func @transform_7(%arg0: i32) -> (i32, i32) {
    %c0_i32 = arith.constant 0 : i32
    %c0_i32_0 = arith.constant 0 : i32
    %c0_i32_1 = arith.constant 0 : i32
    return %c0_i32, %c0_i32_0 : i32, i32
  }
  func.func @transform_8(%arg0: i32) -> (i32, i32) {
    %c0_i32 = arith.constant 0 : i32
    %c0_i32_0 = arith.constant 0 : i32
    %c0_i32_1 = arith.constant 0 : i32
    return %c0_i32, %c0_i32_0 : i32, i32
  }
  func.func @transform_9(%arg0: i32) -> (i32, i32) {
    %c0_i32 = arith.constant 0 : i32
    %c0_i32_0 = arith.constant 0 : i32
    %c0_i32_1 = arith.constant 0 : i32
    return %c0_i32, %c0_i32_0 : i32, i32
  }
  func.func @transform_10(%arg0: i32) -> (i32, i32) {
    %c0_i32 = arith.constant 0 : i32
    %c0_i32_0 = arith.constant 0 : i32
    %c0_i32_1 = arith.constant 0 : i32
    return %c0_i32, %c0_i32_0 : i32, i32
  }
  func.func @transform_11(%arg0: i32) -> (i32, i32) {
    %c0_i32 = arith.constant 0 : i32
    %c0_i32_0 = arith.constant 0 : i32
    %c0_i32_1 = arith.constant 0 : i32
    return %c0_i32, %c0_i32_0 : i32, i32
  }
  func.func @transform_12(%arg0: i32) -> (i32, i32) {
    %c0_i32 = arith.constant 0 : i32
    %c0_i32_0 = arith.constant 0 : i32
    %c0_i32_1 = arith.constant 0 : i32
    return %c0_i32, %c0_i32_0 : i32, i32
  }
  func.func @transform_13(%arg0: i32) -> (i32, i32) {
    %c0_i32 = arith.constant 0 : i32
    %c0_i32_0 = arith.constant 0 : i32
    %c0_i32_1 = arith.constant 0 : i32
    return %c0_i32, %c0_i32_0 : i32, i32
  }
  func.func @transform_14(%arg0: i32) -> (i32, i32) {
    %c0_i32 = arith.constant 0 : i32
    %c0_i32_0 = arith.constant 0 : i32
    %c0_i32_1 = arith.constant 0 : i32
    return %c0_i32, %c0_i32_0 : i32, i32
  }
  func.func @transform_15(%arg0: i32) -> (i32, i32) {
    %c0_i32 = arith.constant 0 : i32
    %c0_i32_0 = arith.constant 0 : i32
    %c0_i32_1 = arith.constant 0 : i32
    return %c0_i32, %c0_i32_0 : i32, i32
  }
  func.func @transform_16(%arg0: i32) -> (i32, i32) {
    %c0_i32 = arith.constant 0 : i32
    %c0_i32_0 = arith.constant 0 : i32
    %c0_i32_1 = arith.constant 0 : i32
    return %c0_i32, %c0_i32_0 : i32, i32
  }
  func.func @transform_17(%arg0: i32) -> (i32, i32) {
    %c0_i32 = arith.constant 0 : i32
    %c0_i32_0 = arith.constant 0 : i32
    %c0_i32_1 = arith.constant 0 : i32
    return %c0_i32, %c0_i32_0 : i32, i32
  }
  func.func @transform_18(%arg0: i32) -> (i32, i32) {
    %c0_i32 = arith.constant 0 : i32
    %c0_i32_0 = arith.constant 0 : i32
    return %arg0, %c0_i32 : i32, i32
  }
}

</mosaic_0001>

<sc_bundles>
// kernel: kernel.5.cloned.1.call-start
scs
__scs_entry_jumppad:
0x0: {  	(pc) =	sbr.rel $0x88, $3  }
0x1: {  	(tag) =	ssettag $0x0;
	lr =	simm.s32 $0x1  }
0x2: {  	[smem:$0x3F8F] =	sst lr;
	_ =	strace $0xD0000000  }
0x3: {  	_ = 	snop  }
0x4: {  	_ = 	snop  }
0x5: {  	_ = 	snop  }
0x6: {  	_ = 	snop  }
0x7: {  	_ = 	snop  }
__scs_overlays_trampoline_lowered:
0x8: {  	[smem:$0x3F9E] =	sst s0  }
0x9: {  	[smem:$0x3F9F] =	sst s1  }
0xa: {  	[smem:$0x3FA0] =	sst s2  }
0xb: {  	[smem:$0x3FA1] =	sst s3  }
0xc: {  	[smem:$0x3FA2] =	sst s4  }
0xd: {  	[smem:$0x3FA3] =	sst s5  }
0xe: {  	[smem:$0x3FA4] =	sst s6  }
0xf: {  	[smem:$0x3FA5] =	sst s7  }
0x10: {  	[smem:$0x3FA6] =	sst s8  }
0x11: {  	[smem:$0x3FA7] =	sst s9;
	s0 =	simm.s32 @!p0 $0x0  }
0x12: {  	s1 =	sld [smem:$0x3F8D];
	s0 =	simm.s32 @p0 $0x1  }
0x13: {  	[smem:$0x3FA8] =	sst s0;
	s0 =	simm.s32 @!p1 $0x0  }
0x14: {  	s2 =	sld [smem:$0x3F8C];
	s0 =	simm.s32 @p1 $0x1  }
0x15: {  	[smem:$0x3FA9] =	sst s0;
	s0 =	simm.s32 @!p2 $0x0  }
0x16: {  	s3 =	sld [smem:$0x3FDB];
	s0 =	simm.s32 @p2 $0x1  }
0x17: {  	s4 =	simm.s32 $0x1BF5;
	[smem:$0x3FAB] =	sst s0  }
0x18: {  	s0 =	sld [smem:$0x3F8E];
	_ =	swait.ge [sflag:s4], $0x0  }
0x19: {  	s7 =	sld [smem:$0x3F8F]  }
0x1a: {  	s8 =	sadd.s32 $0xFFFFE003, lr  }
0x1b: {  	s9 =	sadd.s32 $0xFFFFFEF7, lr;
	s5 =	simm.s32 $0xFFFFFFFF;
	p2 =	slt.u32 s8, $0xFFFFF086  }
0x1c: {  	p1 =	slt.u32 s9, $0xF7A;
	s5 =	simm.s32 @!p2 $0x0  }
0x1d: {  	s5 =	simm.s32 @p1 $0x1;
	p0 =	seq.s32 s7, s2  }
0x1e: {  	s7 =	smul.u32 @!p0 $0xF7A, s2;
	p2 =	seq.s32 @!p0 s5, $0x0  }
0x1f: {  	s9 =	smul.u32 $0xF7A, s1;
	s8 =	simm.s32 @!p0 $0x1BF5;
	p2 =	por !p2, p0  }
0x20: {  	[sflag:s8] =	ssyncset.s32 @!p0 $0xFFFFF086;
	s6 =	sadd.s32 @!p0 s3, s7;
	s7 =	simm.s32 @!p0 $0x108  }
0x21: {  	s3 =	sadd.s32 s3, s9;
	s6 =	sadd.s32 @!p0 $0x88, s6;
	s7 =	simm.s32 @p2 $0x1082  }
0x22: {  	[simem:s7], [sflag:s8] =	dma.local @!p0 [hbm:s6], $0xF7A  }
0x23: {  	s9 =	sor.u32 $0xD0000000, s2;
	s6 =	simm.s32 $0x108;
	_ =	swait.ge @!p0 [sflag:s8], $0x0  }
0x24: {  	s3 =	sadd.s32 $0x88, s3;
	s6 =	simm.s32 @!p1 $0x1082;
	[sflag:s4] =	ssyncset.s32 $0xFFFFF086  }
0x25: {  	[simem:s6], [sflag:s4] =	dma.local [hbm:s3], $0xF7A  }
0x26: {  	[smem:$0x3F8F] =	sst s1;
	(tag) =	ssettag s2;
	_ =	strace s9  }
0x27: {  	s1 =	sld [smem:$0x3F9F]  }
0x28: {  	s2 =	sld [smem:$0x3FA0]  }
0x29: {  	s4 =	sld [smem:$0x3FA2]  }
0x2a: {  	p0 =	seq.s32 s5, $0x0;
	s5 =	sld [smem:$0x3FA3]  }
0x2b: {  	s6 =	sld [smem:$0x3FA4]  }
0x2c: {  	s7 =	sld [smem:$0x3FA5]  }
0x2d: {  	s3 =	simm.s32 $0x108;
	s8 =	sld [smem:$0x3FA6]  }
0x2e: {  	s3 =	simm.s32 @!p0 $0x1082;
	s9 =	sld [smem:$0x3FA7]  }
0x2f: {  	lr =	sadd.s32 s0, s3;
	s0 =	sld [smem:$0x3F9E]  }
0x30: {  	s3 =	sld [smem:$0x3FA1]  }
0x31: {  	[smem:$0x3FAA] =	sst s10  }
0x32: {  	s10 =	sld [smem:$0x3FA8];
	_ =	sdelay $0x3  }
0x33: {  	p0 =	seq.s32 s10, $0x1;
	s10 =	sld [smem:$0x3FAA];
	_ =	sdelay $0x3  }
0x34: {  	[smem:$0x3FAA] =	sst s10  }
0x35: {  	s10 =	sld [smem:$0x3FA9];
	_ =	sdelay $0x3  }
0x36: {  	p1 =	seq.s32 s10, $0x1;
	s10 =	sld [smem:$0x3FAA];
	_ =	sdelay $0x3  }
0x37: {  	[smem:$0x3FAA] =	sst s10  }
0x38: {  	s10 =	sld [smem:$0x3FAB]  }
0x39: {  	_ = 	snop;
	(pc) =	sbr.ind lr, $3  }
0x3a: {  	_ = 	snop  }
0x3b: {  	_ = 	snop  }
0x3c: {  	p2 =	seq.s32 s10, $0x1;
	s10 =	sld [smem:$0x3FAA]  }
0x3d: {  	_ =	shalt  }
0x3e: {  	_ =	shalt  }
0x3f: {  	_ =	shalt  }
0x40: {  	_ =	shalt  }
0x41: {  	_ =	shalt  }
0x42: {  	_ =	shalt  }
0x43: {  	_ =	shalt  }
0x44: {  	_ =	shalt  }
0x45: {  	_ =	shalt  }
0x46: {  	_ =	shalt  }
0x47: {  	_ =	shalt  }
0x48: {  	_ =	shalt  }
0x49: {  	_ =	shalt  }
0x4a: {  	_ =	shalt  }
0x4b: {  	_ =	shalt  }
0x4c: {  	_ =	shalt  }
0x4d: {  	_ =	shalt  }
0x4e: {  	_ =	shalt  }
0x4f: {  	_ =	shalt  }
0x50: {  	_ =	shalt  }
0x51: {  	_ =	shalt  }
0x52: {  	_ =	shalt  }
0x53: {  	_ =	shalt  }
0x54: {  	_ =	shalt  }
0x55: {  	_ =	shalt  }
0x56: {  	_ =	shalt  }
0x57: {  	_ =	shalt  }
0x58: {  	_ =	shalt  }
0x59: {  	_ =	shalt  }
0x5a: {  	_ =	shalt  }
0x5b: {  	_ =	shalt  }
0x5c: {  	_ =	shalt  }
0x5d: {  	_ =	shalt  }
0x5e: {  	_ =	shalt  }
0x5f: {  	_ =	shalt  }
0x60: {  	_ =	shalt  }
0x61: {  	_ =	shalt  }
0x62: {  	_ =	shalt  }
0x63: {  	_ =	shalt  }
0x64: {  	_ =	shalt  }
0x65: {  	_ =	shalt  }
0x66: {  	_ =	shalt  }
0x67: {  	_ =	shalt  }
0x68: {  	_ =	shalt  }
0x69: {  	_ =	shalt  }
0x6a: {  	_ =	shalt  }
0x6b: {  	_ =	shalt  }
0x6c: {  	_ =	shalt  }
0x6d: {  	_ =	shalt  }
0x6e: {  	_ =	shalt  }
0x6f: {  	_ =	shalt  }
0x70: {  	_ =	shalt  }
0x71: {  	_ =	shalt  }
0x72: {  	_ =	shalt  }
0x73: {  	_ =	shalt  }
0x74: {  	_ =	shalt  }
0x75: {  	_ =	shalt  }
0x76: {  	_ =	shalt  }
0x77: {  	_ =	shalt  }
0x78: {  	_ =	shalt  }
0x79: {  	_ =	shalt  }
0x7a: {  	_ =	shalt  }
0x7b: {  	_ =	shalt  }
0x7c: {  	_ =	shalt  }
0x7d: {  	_ =	shalt  }
0x7e: {  	_ =	shalt  }
0x7f: {  	_ =	shalt  }
0x80: {  	_ =	shalt  }
0x81: {  	_ =	shalt  }
0x82: {  	_ =	shalt  }
0x83: {  	_ =	shalt  }
0x84: {  	_ =	shalt  }
0x85: {  	_ =	shalt  }
0x86: {  	_ =	shalt  }
0x87: {  	_ =	shalt  }
.Lfunc_end0:
.L_simem_size_0:
called_computation.1_lowered:
.L_overlay_start_0:
0x88: {  	s2 =	sld [smem:$0x3FD9]  }
0x89: {  	s3 =	sld [smem:$0x3FFE];
	_ =	sdelay $0x1  }
0x8a: {  	s1 =	srdreg.scid  }
0x8b: {  	s0 =	sand.u32 $0x1, s1  }
0x8c: {  	s17 =	sshll.u32 s0, $0xA;
	s2 =	sadd.s32 s3, s2  }
0x8d: {  	s2 =	sadd.s32 s2, s17  }
0x8e: {  	[smem:$0x3FB6] =	sst s2  }
0x8f: {  	_ = 	snop  }
0x90: {  	(tm) =	ssettm $0x1  }
0x91: {  	s18 =	sld [smem:$0x3FFB];
	_ =	sdelay $0x3  }
0x92: {  	_ =	strace s18  }
0x93: {  	s2 =	sld [smem:$0x3FFC];
	_ =	sdelay $0x3  }
0x94: {  	_ =	strace s2  }
0x95: {  	s2 =	sld [smem:$0x3FFD];
	_ =	sdelay $0x3  }
0x96: {  	_ =	strace s2  }
0x97: {  	_ =	strace $0x8FFFFFFF  }
0x98: {  	s19 =	sld [smem:$0x3FDB];
	_ =	sdelay $0x1  }
0x99: {  	s20 =	simm.s32 $_scs_section_size  }
0x9a: {  	s4 =	simm.s32 $_size__tile_overlayer_lowered;
	s5 =	simm.s32 $_tile_overlayer_lowered  }
0x9b: {  	s6 =	simm.s32 $0x1BFF;
	s21 =	sshll.u32 s5, $0x1;
	s3 =	sadd.s32 s20, s19  }
0x9c: {  	s22 =	simm.s32 $0x0;
	s4 =	sshll.u32 s4, $0x1;
	s5 =	sadd.s32 s21, s3  }
0x9d: {  	[timem:s22], [sflag:s6] =	dma.local [hbm:s5], s4  }
0x9e: {  	_ =	swait.ge [sflag:s6], s4  }
0x9f: {  	s4 =	ssub.s32 $0x0, s4;
	[sflag:s6] =	ssyncset.done $0x0  }
0xa0: {  	[sflag:s6] =	ssyncadd.s32 s4;
	_ =	sdelay $0x1  }
0xa1: {  	s23 =	simm.s32 $0x1B8B  }
0xa2: {  	_ =	swait.ge [sflag:s23], $0x1  }
0xa3: {  	[sflag:s23] =	ssyncset.done $0x0  }
0xa4: {  	[sflag:s23] =	ssyncadd.s32 $0xFFFFFFFF  }
0xa5: {  	s4 =	sld [smem:$0x0]  }
0xa6: {  	s5 =	sand.u32 $0xFFFFFFFE, s1  }
0xa7: {  	p0 =	sne.s32 s1, s5  }
0xa8: {  	s5 =	sshll.u32 @p0 s5, $0xE  }
0xa9: {  	s5 =	sadd.s32 @p0 $0x11B8D, s5;
	s6 =	sshll.u32 @p0 s4, $0x11  }
0xaa: {  	s5 =	sor.u32 @p0 s6, s5  }
0xab: {  	[sflag:s5] =	ssyncadd.remote.s32 @p0 $0x1;
	_ =	sdelay $0x1  }
0xac: {  	s5 =	simm.s32 @p0 $0x1B8D  }
0xad: {  	_ =	swait.eq @p0 [sflag:s5], $0x1  }
0xae: {  	[sflag:s5] =	ssyncadd.s32 @p0 $0xFFFFFFFF  }
0xaf: {  	s6 =	sshll.u32 @!p0 s1, $0xE  }
0xb0: {  	s6 =	sor.u32 @!p0 $0x4000, s6;
	s5 =	simm.s32 @!p0 $0x1B8D  }
0xb1: {  	s4 =	sshll.u32 @!p0 s4, $0x11;
	s6 =	sadd.s32 @!p0 $0x11B8D, s6;
	_ =	swait.eq @!p0 [sflag:s5], $0x1  }
0xb2: {  	s4 =	sor.u32 @!p0 s4, s6;
	[sflag:s5] =	ssyncadd.s32 @!p0 $0xFFFFFFFF  }
0xb3: {  	s25 =	simm.s32 $0x1B8E;
	s24 =	sld [smem:$0x3FFE];
	[sflag:s4] =	ssyncadd.remote.s32 @!p0 $0x1  }
0xb4: {  	s26 =	simm.s32 $execute0_lowered;
	[smem:$0x3FD2] =	sst s25  }
0xb5: {  	s5 =	sshll.u32 s26, $0x1;
	_ =	strace $0x8000004C;
	[dreg:$0x1] =	wrdreg $0xFFFFFFFF  }
0xb6: {  	s28 =	simm.s32 $_size_execute0_lowered;
	s3 =	sadd.s32 s3, s5;
	[dreg:$0x0] =	wrdreg $0x0  }
0xb7: {  	s5 =	sshll.u32 s28, $0x1;
	[dreg:$0x2] =	wrdreg s3  }
0xb8: {  	[dreg:$0x3] =	wrdreg s5  }
0xb9: {  	[dreg:$0x4] =	wrdreg $0xC0  }
0xba: {  	_ =	task [dreg:s22], $0x5FFFF  }
0xbb: {  	[dreg:$0x1] =	wrdreg $0xFFFFFFFF  }
0xbc: {  	[dreg:$0x0] =	wrdreg $0x60  }
0xbd: {  	[dreg:$0x2] =	wrdreg s24  }
0xbe: {  	[dreg:$0x3] =	wrdreg $0xA  }
0xbf: {  	_ =	task.clear_ibuf [dreg:s22], $0x4FFFF;
	_ =	strace $0x9000004C  }
0xc0: {  	s29 =	simm.s32 $0xA;
	_ =	strace $0x8000004E  }
0xc1: {  	_ =	swait.ge [sflag:s29], $0x1  }
0xc2: {  	[sflag:s29] =	ssyncadd.s32 $0xFFFFFFFF  }
0xc3: {  	_ =	strace $0x9000004E  }
0xc4: {  	_ =	sfence  }
0xc5: {  	s30 =	sld [smem:$0x0];
	_ =	sdelay $0x2  }
0xc6: {  	s31 =	sshll.u32 s1, $0xD;
	s1 =	sshrl.u32 s1, $0x2  }
0xc7: {  	s4 =	sand.u32 $0x4000, s31;
	s1 =	sadd.s32 s1, s30  }
0xc8: {  	s0 =	sor.u32 s4, s0;
	s1 =	sshll.u32 s1, $0x11  }
0xc9: {  	s0 =	sor.u32 s1, s0  }
0xca: {  	s0 =	sadd.s32 $0x8F2B, s0  }
0xcb: {  	[sflag:s0] =	ssyncadd.remote.s32 $0x1  }
0xcc: {  	_ =	sfence.sel $0xFFFF  }
0xcd: {  	[dreg:$0x0] =	wrdreg $0xFFFFFFFF;
	(pc) =	sbr.abs _section_cstart, $3  }
0xce: {  	[dreg:$0x1] =	wrdreg $0xFFFFFFFF  }
0xcf: {  	_ =	task.clear_ibuf [dreg:s22], $0x2FFFF;
	_ =	strace $0x9FFFFFFF  }
0xd0: {  	(tm) =	ssettm $0x7FFFFFFF  }
0xd1: {  	_ =	shalt  }
tec
execute0_lowered:
.L_overlay_start_1:
0x0: {  	(tag) =	ssettag $0x1  }
0x1: {  	s1 =	srdreg.scid  }
0x2: {  	s0 =	stileid.u32;
	s4 =	rddreg [dreg:$0x0]  }
0x3: {  	s2 =	simm.s32 $0x0;
	s9 =	simm.s32 $0x1;
	s10 =	simm.s32 $0x400  }
0x4: {  	s11 =	simm.s32 $0x3400;
	s12 =	simm.s32 $0x13400;
	s13 =	simm.s32 $0x2  }
0x5: {  	s3 =	sand.u32 $0x1, s1;
	s5 =	sshll.u32 s0, $0x1;
	s1 =	rddreg [dreg:$0x1]  }
0x6: {  	s14 =	simm.s32 $0x0;
	[smem:$0x7FF] =	sst s2;
	s6 =	sor.u32 s3, s5  }
0x7: {  	_ =	strace $0x8000004D;
	s7 =	ssub.s32 $0x2, s3;
	s5 =	smul.u32 $0x680, s6  }
0x8: {  	s3 =	sadd.s32 $0x2C00, s4;
	s8 =	sshrl.u32 s7, $0x1;
	s6 =	smul.u32 $0x68, s6  }
0x9: {  	s7 =	ssub.s32 s7, s8;
	s8 =	simm.s32 $0x3;
	s5 =	sadd.s32 s5, s4  }
0xa: {  	v0 =	vlaneseq.u32;
	s4 =	sadd.s32 $0x2847A00, s4;
	s7 =	smax.u32 s7, $0x1;
	s5 =	sadd.s32 $0x2839A00, s5  }
.LBB2_1:
0xb: {  	[tilespmem:s2], [sflag:$0x3] =	stream.linear.gather [hbm4b:s5+s2], $0x3400, $0x38;
	[tilespmem:$0x13C00] =	vst v63  }
0xc: {  	_ =	swait.ge [sflag:s8], $0x3400  }
0xd: {  	[sflag:s8] =	ssyncset.done $0x0  }
0xe: {  	[sflag:s8] =	ssyncadd.s32 $0xFFFFCC00  }
0xf: {  	v1 =	vld [tilespmem:$0x0];
	_ =	sdelay $0x2  }
0x10: {  	v2 =	vmov s2  }
0x11: {  	vm0 =	veq.s32 v2, v0  }
0x12: {  	v2 =	vnsel vm0, $0x0, v1  }
0x13: {  	(xrf0) =	vadd.scan.msk.s32 $0xffff, v2;
	_ =	sdelay $0x5  }
0x14: {  	v2, _, _ =	vpop (xrf0)  }
0x15: {  	(v2sf) =	vpush v2, $0xF  }
0x16: {  	s15 =	simm.s32 $0x1  }
0x17: {  	v2 =	vmov s15  }
0x18: {  	vm12 =	veq.s32 v2, v0  }
0x19: {  	s29 =	simm.s32 $0x2;
	v3 =	vnsel vm12, $0x0, v1  }
0x1a: {  	s30 =	simm.s32 $0x3;
	v2 =	vmov s29;
	(xrf0) =	vadd.scan.msk.s32 $0xffff, v3  }
0x1b: {  	vm13 =	veq.s32 v2, v0;
	v2 =	vmov s30  }
0x1c: {  	v3 =	vnsel vm13, $0x0, v1;
	vm14 =	veq.s32 v2, v0  }
0x1d: {  	(xrf0) =	vadd.scan.msk.s32 $0xffff, v3;
	v2 =	vnsel vm14, $0x0, v1  }
0x1e: {  	(xrf0) =	vadd.scan.msk.s32 $0xffff, v2;
	_ =	sdelay $0x1  }
0x1f: {  	s17 =	simm.s32 $0x4;
	v2, _, _ =	vpop (xrf0)  }
0x20: {  	v3 =	vmov s17;
	(v2sf) =	vpush v2, $0xF;
	_ =	sdelay $0x1  }
0x21: {  	v2, _, _ =	vpop (xrf0)  }
0x22: {  	vm15 =	veq.s32 v3, v0;
	v3, _, _ =	vpop (xrf0);
	s31 =	spop (v2sf);
	(v2sf) =	vpush v2, $0xF  }
0x23: {  	(v2sf) =	vpush v3, $0xF;
	_ =	sdelay $0x4  }
0x24: {  	s16 =	sshll.u32 s31, $0x4  }
0x25: {  	v2 =	vnsel vm15, $0x0, v1;
	s16 =	sand.u32 $0xFFFFF80, s16  }
0x26: {  	s15 =	simm.s32 $0x3400;
	(xrf0) =	vadd.scan.msk.s32 $0xffff, v2;
	s16 =	sadd.s32 s3, s16  }
0x27: {  	[tilespmem:s11], [sflag:$0x1] =	stream.linear.gather [hbm4b:s16+s2], $0x400, $0x38;
	[tilespmem:$0x13C00] =	vst v63  }
0x28: {  	s17 =	simm.s32 $0x5;
	[smem:s2] =	sst s31;
	s16 =	simm.s32 $0x0  }
.LBB2_2:
0x29: {  	v2 =	vmov s17;
	p0 =	sne.s32 s17, $0xF;
	s17 =	sadd.s32 $0x1, s17  }
.Ltmp0:
0x2a: {  	s16 =	sadd.s32 $0x1, s16;
	vm0 =	veq.s32 v2, v0;
	s18 =	spop (v2sf);
	(pc) =	sbr.rel @p0 .LBB2_2-.Ltmp0, $4  }
0x2b: {  	v3 =	vnsel vm0, $0x0, v1;
	[smem:s16] =	sst s18;
	s18 =	sshll.u32 s18, $0x4  }
0x2c: {  	(xrf0) =	vadd.scan.msk.s32 $0xffff, v3;
	v2, _, _ =	vpop (xrf0);
	s18 =	sand.u32 $0xFFFFF80, s18  }
0x2d: {  	s15 =	sadd.s32 $0x400, s15;
	(v2sf) =	vpush v2, $0xF;
	s18 =	sadd.s32 s3, s18  }
0x2e: {  	[tilespmem:s15], [sflag:$0x1] =	stream.linear.gather [hbm4b:s18+s2], $0x400, $0x38;
	[tilespmem:$0x13C00] =	vst v63  }
0x2f: {  	_ =	sdelay $0x2  }
0x30: {  	v1, _, _ =	vpop (xrf0)  }
0x31: {  	s18 =	spop (v2sf);
	(v2sf) =	vpush v1, $0xF;
	_ =	sdelay $0x2  }
0x32: {  	s17 =	sshll.u32 s18, $0x4  }
0x33: {  	s19 =	spop (v2sf);
	s17 =	sand.u32 $0xFFFFF80, s17  }
0x34: {  	s15 =	sadd.s32 $0x400, s15;
	s23 =	sshll.u32 s19, $0x4;
	s17 =	sadd.s32 s3, s17  }
0x35: {  	[tilespmem:s15], [sflag:$0x1] =	stream.linear.gather [hbm4b:s17+s2], $0x400, $0x38;
	[tilespmem:$0x13C00] =	vst v63  }
0x36: {  	s17 =	sand.u32 $0xFFFFF80, s23  }
0x37: {  	s15 =	sadd.s32 $0x400, s15;
	s17 =	sadd.s32 s3, s17  }
0x38: {  	[tilespmem:s15], [sflag:$0x1] =	stream.linear.gather [hbm4b:s17+s2], $0x400, $0x38;
	[tilespmem:$0x13C00] =	vst v63  }
0x39: {  	s20 =	spop (v2sf)  }
0x3a: {  	s24 =	sshll.u32 s20, $0x4  }
0x3b: {  	s17 =	sand.u32 $0xFFFFF80, s24  }
0x3c: {  	s15 =	sadd.s32 $0x400, s15;
	s17 =	sadd.s32 s3, s17  }
0x3d: {  	[tilespmem:s15], [sflag:$0x1] =	stream.linear.gather [hbm4b:s17+s2], $0x400, $0x38;
	[tilespmem:$0x13C00] =	vst v63  }
0x3e: {  	s21 =	spop (v2sf)  }
0x3f: {  	s25 =	sshll.u32 s21, $0x4  }
0x40: {  	s17 =	sand.u32 $0xFFFFF80, s25  }
0x41: {  	s15 =	sadd.s32 $0x400, s15;
	s17 =	sadd.s32 s3, s17  }
0x42: {  	[tilespmem:s15], [sflag:$0x1] =	stream.linear.gather [hbm4b:s17+s2], $0x400, $0x38;
	[tilespmem:$0x13C00] =	vst v63  }
0x43: {  	v1 =	vld [tilespmem:$0x10];
	_ =	sdelay $0x1  }
0x44: {  	s15 =	simm.s32 $0x0  }
0x45: {  	v2 =	vmov s15  }
0x46: {  	vm0 =	veq.s32 v2, v0  }
0x47: {  	v2 =	vnsel vm0, $0x0, v1  }
0x48: {  	(xrf0) =	vadd.scan.msk.s32 $0xffff, v2;
	_ =	sdelay $0x5  }
0x49: {  	v2, _, _ =	vpop (xrf0)  }
0x4a: {  	s26 =	simm.s32 $0x1;
	(v2sf) =	vpush v2, $0xF  }
0x4b: {  	v2 =	vmov s26  }
0x4c: {  	vm12 =	veq.s32 v2, v0  }
0x4d: {  	s28 =	simm.s32 $0x2;
	v3 =	vnsel vm12, $0x0, v1  }
0x4e: {  	s29 =	simm.s32 $0x3;
	v2 =	vmov s28;
	(xrf0) =	vadd.scan.msk.s32 $0xffff, v3  }
0x4f: {  	vm13 =	veq.s32 v2, v0;
	v2 =	vmov s29  }
0x50: {  	v3 =	vnsel vm13, $0x0, v1;
	vm14 =	veq.s32 v2, v0  }
0x51: {  	(xrf0) =	vadd.scan.msk.s32 $0xffff, v3;
	v2 =	vnsel vm14, $0x0, v1  }
0x52: {  	(xrf0) =	vadd.scan.msk.s32 $0xffff, v2;
	_ =	sdelay $0x1  }
0x53: {  	s31 =	simm.s32 $0x4;
	v2, _, _ =	vpop (xrf0)  }
0x54: {  	v3 =	vmov s31;
	(v2sf) =	vpush v2, $0xF;
	_ =	sdelay $0x1  }
0x55: {  	v2, _, _ =	vpop (xrf0)  }
0x56: {  	vm15 =	veq.s32 v3, v0;
	(v2sf) =	vpush v2, $0xF;
	v3, _, _ =	vpop (xrf0)  }
0x57: {  	s22 =	spop (v2sf);
	(v2sf) =	vpush v3, $0xF;
	_ =	sdelay $0x2  }
0x58: {  	s16 =	sadd.s32 $0x1, s16  }
0x59: {  	[smem:s16] =	sst s18;
	s16 =	sadd.s32 $0x1, s16  }
0x5a: {  	s18 =	simm.s32 $0x5;
	[smem:s16] =	sst s19;
	s16 =	sadd.s32 $0x1, s16  }
0x5b: {  	[smem:s16] =	sst s20;
	s16 =	sadd.s32 $0x1, s16;
	v2 =	vnsel vm15, $0x0, v1;
	s30 =	sshll.u32 s22, $0x4  }
0x5c: {  	[smem:s16] =	sst s21;
	s16 =	simm.s32 $0x10;
	(xrf0) =	vadd.scan.msk.s32 $0xffff, v2;
	s23 =	sand.u32 $0xFFFFF80, s30  }
0x5d: {  	s17 =	simm.s32 $0x7400;
	[smem:s16] =	sst s22;
	s23 =	sadd.s32 s3, s23  }
0x5e: {  	[tilespmem:s17], [sflag:$0x1] =	stream.linear.gather [hbm4b:s23+s15], $0x400, $0x38;
	[tilespmem:$0x13C00] =	vst v63  }
.LBB2_4:
0x5f: {  	v2 =	vmov s18;
	p0 =	sne.s32 s18, $0xF;
	s18 =	sadd.s32 $0x1, s18  }
.Ltmp1:
0x60: {  	s16 =	sadd.s32 $0x1, s16;
	vm0 =	veq.s32 v2, v0;
	s19 =	spop (v2sf);
	(pc) =	sbr.rel @p0 .LBB2_4-.Ltmp1, $4  }
0x61: {  	v3 =	vnsel vm0, $0x0, v1;
	[smem:s16] =	sst s19;
	s19 =	sshll.u32 s19, $0x4  }
0x62: {  	(xrf0) =	vadd.scan.msk.s32 $0xffff, v3;
	v2, _, _ =	vpop (xrf0);
	s19 =	sand.u32 $0xFFFFF80, s19  }
0x63: {  	s17 =	sadd.s32 $0x400, s17;
	(v2sf) =	vpush v2, $0xF;
	s19 =	sadd.s32 s3, s19  }
0x64: {  	[tilespmem:s17], [sflag:$0x1] =	stream.linear.gather [hbm4b:s19+s15], $0x400, $0x38;
	[tilespmem:$0x13C00] =	vst v63  }
0x65: {  	_ =	sdelay $0x2  }
0x66: {  	v1, _, _ =	vpop (xrf0)  }
0x67: {  	s18 =	spop (v2sf);
	(v2sf) =	vpush v1, $0xF;
	_ =	sdelay $0x3  }
0x68: {  	s19 =	sshll.u32 s18, $0x4;
	s29 =	spop (v2sf)  }
0x69: {  	s19 =	sand.u32 $0xFFFFF80, s19;
	s20 =	sshll.u32 s29, $0x4  }
0x6a: {  	s17 =	sadd.s32 $0x400, s17;
	s19 =	sadd.s32 s3, s19;
	s20 =	sand.u32 $0xFFFFF80, s20  }
0x6b: {  	[tilespmem:s17], [sflag:$0x1] =	stream.linear.gather [hbm4b:s19+s15], $0x400, $0x38;
	[tilespmem:$0x13C00] =	vst v63  }
0x6c: {  	s20 =	sadd.s32 s3, s20;
	s17 =	sadd.s32 $0x400, s17  }
0x6d: {  	[tilespmem:s17], [sflag:$0x1] =	stream.linear.gather [hbm4b:s20+s15], $0x400, $0x38;
	[tilespmem:$0x13C00] =	vst v63  }
0x6e: {  	s30 =	spop (v2sf)  }
0x6f: {  	s21 =	sshll.u32 s30, $0x4  }
0x70: {  	s21 =	sand.u32 $0xFFFFF80, s21  }
0x71: {  	s16 =	sadd.s32 $0x1, s16;
	s17 =	sadd.s32 $0x400, s17;
	s21 =	sadd.s32 s3, s21  }
0x72: {  	[tilespmem:s17], [sflag:$0x1] =	stream.linear.gather [hbm4b:s21+s15], $0x400, $0x38;
	[tilespmem:$0x13C00] =	vst v63  }
0x73: {  	[smem:s16] =	sst s18;
	s16 =	sadd.s32 $0x1, s16;
	s31 =	spop (v2sf)  }
0x74: {  	[smem:s16] =	sst s29;
	s16 =	sadd.s32 $0x1, s16;
	s22 =	sshll.u32 s31, $0x4  }
0x75: {  	[smem:s16] =	sst s30;
	s16 =	sadd.s32 $0x1, s16;
	s22 =	sand.u32 $0xFFFFF80, s22  }
0x76: {  	s17 =	sadd.s32 $0x400, s17;
	[smem:s16] =	sst s31;
	s22 =	sadd.s32 s3, s22  }
0x77: {  	[tilespmem:s17], [sflag:$0x1] =	stream.linear.gather [hbm4b:s22+s15], $0x400, $0x38;
	[tilespmem:$0x13C00] =	vst v63  }
.LBB2_6:
0x78: {  	s16 =	sshllo.u32 s15, $0x1  }
0x79: {  	s17 =	sshll.u32 s16, $0x7  }
0x7a: {  	s18 =	sand.u32 $0x3FFFFF80, s17  }
0x7b: {  	v1 =	vld [tilespmem:s18+$0x0];
	_ =	sdelay $0x1  }
0x7c: {  	s26 =	simm.s32 $0x0  }
0x7d: {  	v2 =	vmov s26  }
0x7e: {  	vm0 =	veq.s32 v2, v0  }
0x7f: {  	v2 =	vnsel vm0, $0x0, v1  }
0x80: {  	(xrf0) =	vadd.scan.msk.s32 $0xffff, v2;
	_ =	sdelay $0x5  }
0x81: {  	v2, _, _ =	vpop (xrf0)  }
0x82: {  	(v2sf) =	vpush v2, $0xF  }
0x83: {  	s28 =	simm.s32 $0x1  }
0x84: {  	v2 =	vmov s28  }
0x85: {  	vm12 =	veq.s32 v2, v0  }
0x86: {  	s29 =	simm.s32 $0x2;
	v3 =	vnsel vm12, $0x0, v1  }
0x87: {  	s30 =	simm.s32 $0x3;
	v2 =	vmov s29;
	(xrf0) =	vadd.scan.msk.s32 $0xffff, v3  }
0x88: {  	vm13 =	veq.s32 v2, v0;
	v2 =	vmov s30  }
0x89: {  	v3 =	vnsel vm13, $0x0, v1;
	vm14 =	veq.s32 v2, v0  }
0x8a: {  	(xrf0) =	vadd.scan.msk.s32 $0xffff, v3;
	v2 =	vnsel vm14, $0x0, v1  }
0x8b: {  	(xrf0) =	vadd.scan.msk.s32 $0xffff, v2;
	_ =	sdelay $0x1  }
0x8c: {  	s19 =	simm.s32 $0x4;
	v2, _, _ =	vpop (xrf0)  }
0x8d: {  	v3 =	vmov s19;
	(v2sf) =	vpush v2, $0xF;
	_ =	sdelay $0x1  }
0x8e: {  	v2, _, _ =	vpop (xrf0)  }
0x8f: {  	vm15 =	veq.s32 v3, v0;
	v3, _, _ =	vpop (xrf0);
	s22 =	spop (v2sf);
	(v2sf) =	vpush v2, $0xF  }
0x90: {  	(v2sf) =	vpush v3, $0xF;
	_ =	sdelay $0x4  }
0x91: {  	s31 =	sshll.u32 s22, $0x4  }
0x92: {  	v2 =	vnsel vm15, $0x0, v1;
	s17 =	sand.u32 $0xFFFFF80, s31  }
0x93: {  	s20 =	simm.s32 $0xB400;
	s19 =	simm.s32 $0x80;
	(xrf0) =	vadd.scan.msk.s32 $0xffff, v2;
	s17 =	sadd.s32 s3, s17  }
0x94: {  	[tilespmem:s20], [sflag:$0x2] =	stream.linear.gather [hbm4b:s17+s2], $0x400, $0x38;
	[tilespmem:$0x13C00] =	vst v63  }
0x95: {  	s21 =	simm.s32 $0x5;
	[smem:s19] =	sst s22;
	s17 =	sshll.u32 s15, $0x1  }
.LBB2_7:
0x96: {  	v2 =	vmov s21;
	p0 =	sne.s32 s21, $0xF;
	s21 =	sadd.s32 $0x1, s21  }
.Ltmp2:
0x97: {  	s19 =	sadd.s32 $0x1, s19;
	vm0 =	veq.s32 v2, v0;
	s22 =	spop (v2sf);
	(pc) =	sbr.rel @p0 .LBB2_7-.Ltmp2, $4  }
0x98: {  	v3 =	vnsel vm0, $0x0, v1;
	[smem:s19] =	sst s22;
	s22 =	sshll.u32 s22, $0x4  }
0x99: {  	(xrf0) =	vadd.scan.msk.s32 $0xffff, v3;
	v2, _, _ =	vpop (xrf0);
	s22 =	sand.u32 $0xFFFFF80, s22  }
0x9a: {  	s20 =	sadd.s32 $0x400, s20;
	(v2sf) =	vpush v2, $0xF;
	s22 =	sadd.s32 s3, s22  }
0x9b: {  	[tilespmem:s20], [sflag:$0x2] =	stream.linear.gather [hbm4b:s22+s2], $0x400, $0x38;
	[tilespmem:$0x13C00] =	vst v63  }
0x9c: {  	_ =	sdelay $0x2  }
0x9d: {  	v1, _, _ =	vpop (xrf0)  }
0x9e: {  	s21 =	spop (v2sf);
	(v2sf) =	vpush v1, $0xF  }
0x9f: {  	s22 =	sshll.u32 s21, $0x4  }
0xa0: {  	s22 =	sand.u32 $0xFFFFF80, s22  }
0xa1: {  	s20 =	sadd.s32 $0x400, s20;
	s22 =	sadd.s32 s3, s22  }
0xa2: {  	[tilespmem:s20], [sflag:$0x2] =	stream.linear.gather [hbm4b:s22+s2], $0x400, $0x38;
	[tilespmem:$0x13C00] =	vst v63  }
0xa3: {  	s22 =	spop (v2sf)  }
0xa4: {  	s23 =	sshll.u32 s22, $0x4  }
0xa5: {  	s23 =	sand.u32 $0xFFFFF80, s23  }
0xa6: {  	s20 =	sadd.s32 $0x400, s20;
	s23 =	sadd.s32 s3, s23  }
0xa7: {  	[tilespmem:s20], [sflag:$0x2] =	stream.linear.gather [hbm4b:s23+s2], $0x400, $0x38;
	[tilespmem:$0x13C00] =	vst v63  }
0xa8: {  	s23 =	spop (v2sf)  }
0xa9: {  	s24 =	sshll.u32 s23, $0x4  }
0xaa: {  	s24 =	sand.u32 $0xFFFFF80, s24  }
0xab: {  	s20 =	sadd.s32 $0x400, s20;
	s24 =	sadd.s32 s3, s24  }
0xac: {  	[tilespmem:s20], [sflag:$0x2] =	stream.linear.gather [hbm4b:s24+s2], $0x400, $0x38;
	[tilespmem:$0x13C00] =	vst v63  }
0xad: {  	s24 =	spop (v2sf)  }
0xae: {  	s25 =	sshll.u32 s24, $0x4  }
0xaf: {  	s25 =	sand.u32 $0xFFFFF80, s25  }
0xb0: {  	s20 =	sadd.s32 $0x400, s20;
	s25 =	sadd.s32 s3, s25  }
0xb1: {  	[tilespmem:s20], [sflag:$0x2] =	stream.linear.gather [hbm4b:s25+s2], $0x400, $0x38;
	[tilespmem:$0x13C00] =	vst v63  }
0xb2: {  	v1 =	vld [tilespmem:s18+$0x10];
	_ =	sdelay $0x1  }
0xb3: {  	s31 =	simm.s32 $0x0  }
0xb4: {  	v2 =	vmov s31  }
0xb5: {  	vm0 =	veq.s32 v2, v0  }
0xb6: {  	v2 =	vnsel vm0, $0x0, v1  }
0xb7: {  	(xrf0) =	vadd.scan.msk.s32 $0xffff, v2;
	_ =	sdelay $0x5  }
0xb8: {  	v2, _, _ =	vpop (xrf0)  }
0xb9: {  	s20 =	simm.s32 $0x1;
	(v2sf) =	vpush v2, $0xF  }
0xba: {  	v2 =	vmov s20  }
0xbb: {  	vm12 =	veq.s32 v2, v0  }
0xbc: {  	s25 =	simm.s32 $0x2;
	v3 =	vnsel vm12, $0x0, v1  }
0xbd: {  	s26 =	simm.s32 $0x3;
	v2 =	vmov s25;
	(xrf0) =	vadd.scan.msk.s32 $0xffff, v3  }
0xbe: {  	vm13 =	veq.s32 v2, v0;
	v2 =	vmov s26  }
0xbf: {  	v3 =	vnsel vm13, $0x0, v1;
	vm14 =	veq.s32 v2, v0  }
0xc0: {  	(xrf0) =	vadd.scan.msk.s32 $0xffff, v3;
	v2 =	vnsel vm14, $0x0, v1  }
0xc1: {  	(xrf0) =	vadd.scan.msk.s32 $0xffff, v2;
	_ =	sdelay $0x1  }
0xc2: {  	s31 =	simm.s32 $0x4;
	v2, _, _ =	vpop (xrf0)  }
0xc3: {  	v3 =	vmov s31;
	(v2sf) =	vpush v2, $0xF;
	_ =	sdelay $0x1  }
0xc4: {  	v2, _, _ =	vpop (xrf0)  }
0xc5: {  	vm15 =	veq.s32 v3, v0;
	(v2sf) =	vpush v2, $0xF;
	v3, _, _ =	vpop (xrf0)  }
0xc6: {  	s28 =	spop (v2sf);
	(v2sf) =	vpush v3, $0xF;
	_ =	sdelay $0x1  }
0xc7: {  	s19 =	sadd.s32 $0x1, s19  }
0xc8: {  	[smem:s19] =	sst s21;
	s19 =	sadd.s32 $0x1, s19  }
0xc9: {  	[smem:s19] =	sst s22;
	s19 =	sadd.s32 $0x1, s19  }
0xca: {  	[smem:s19] =	sst s23;
	s19 =	sadd.s32 $0x1, s19;
	s29 =	sshll.u32 s28, $0x4  }
0xcb: {  	[smem:s19] =	sst s24;
	v2 =	vnsel vm15, $0x0, v1;
	s30 =	sand.u32 $0xFFFFF80, s29  }
0xcc: {  	s19 =	simm.s32 $0x90;
	s18 =	simm.s32 $0xF400;
	(xrf0) =	vadd.scan.msk.s32 $0xffff, v2;
	s20 =	sadd.s32 s3, s30  }
0xcd: {  	[tilespmem:s18], [sflag:$0x2] =	stream.linear.gather [hbm4b:s20+s2], $0x400, $0x38;
	[tilespmem:$0x13C00] =	vst v63  }
0xce: {  	[smem:s19] =	sst s28;
	s20 =	simm.s32 $0x5  }
.LBB2_9:
0xcf: {  	v2 =	vmov s20;
	p0 =	sne.s32 s20, $0xF;
	s20 =	sadd.s32 $0x1, s20  }
.Ltmp3:
0xd0: {  	s19 =	sadd.s32 $0x1, s19;
	vm0 =	veq.s32 v2, v0;
	s21 =	spop (v2sf);
	(pc) =	sbr.rel @p0 .LBB2_9-.Ltmp3, $4  }
0xd1: {  	v3 =	vnsel vm0, $0x0, v1;
	[smem:s19] =	sst s21;
	s21 =	sshll.u32 s21, $0x4  }
0xd2: {  	(xrf0) =	vadd.scan.msk.s32 $0xffff, v3;
	v2, _, _ =	vpop (xrf0);
	s21 =	sand.u32 $0xFFFFF80, s21  }
0xd3: {  	s18 =	sadd.s32 $0x400, s18;
	(v2sf) =	vpush v2, $0xF;
	s21 =	sadd.s32 s3, s21  }
0xd4: {  	[tilespmem:s18], [sflag:$0x2] =	stream.linear.gather [hbm4b:s21+s2], $0x400, $0x38;
	[tilespmem:$0x13C00] =	vst v63  }
0xd5: {  	_ =	sdelay $0x2  }
0xd6: {  	v1, _, _ =	vpop (xrf0)  }
0xd7: {  	s20 =	spop (v2sf);
	(v2sf) =	vpush v1, $0xF;
	_ =	sdelay $0x3  }
0xd8: {  	s21 =	sshll.u32 s20, $0x4;
	s24 =	spop (v2sf)  }
0xd9: {  	s21 =	sand.u32 $0xFFFFF80, s21;
	s22 =	sshll.u32 s24, $0x4  }
0xda: {  	s18 =	sadd.s32 $0x400, s18;
	s21 =	sadd.s32 s3, s21;
	s22 =	sand.u32 $0xFFFFF80, s22  }
0xdb: {  	[tilespmem:s18], [sflag:$0x2] =	stream.linear.gather [hbm4b:s21+s2], $0x400, $0x38;
	[tilespmem:$0x13C00] =	vst v63  }
0xdc: {  	s22 =	sadd.s32 s3, s22;
	s18 =	sadd.s32 $0x400, s18  }
0xdd: {  	[tilespmem:s18], [sflag:$0x2] =	stream.linear.gather [hbm4b:s22+s2], $0x400, $0x38;
	[tilespmem:$0x13C00] =	vst v63  }
0xde: {  	s25 =	spop (v2sf)  }
0xdf: {  	s23 =	sshll.u32 s25, $0x4  }
0xe0: {  	s23 =	sand.u32 $0xFFFFF80, s23  }
0xe1: {  	s19 =	sadd.s32 $0x1, s19;
	s18 =	sadd.s32 $0x400, s18;
	s23 =	sadd.s32 s3, s23  }
0xe2: {  	[tilespmem:s18], [sflag:$0x2] =	stream.linear.gather [hbm4b:s23+s2], $0x400, $0x38;
	[tilespmem:$0x13C00] =	vst v63  }
0xe3: {  	[smem:s19] =	sst s20;
	s19 =	sadd.s32 $0x1, s19;
	s26 =	spop (v2sf)  }
0xe4: {  	[smem:s19] =	sst s24;
	s19 =	sadd.s32 $0x1, s19;
	s28 =	sshll.u32 s26, $0x4  }
0xe5: {  	[smem:s19] =	sst s25;
	s19 =	sadd.s32 $0x1, s19;
	s21 =	sand.u32 $0xFFFFF80, s28  }
0xe6: {  	s18 =	sadd.s32 $0x400, s18;
	[smem:s19] =	sst s26;
	s29 =	sadd.s32 s3, s21  }
0xe7: {  	[tilespmem:s18], [sflag:$0x2] =	stream.linear.gather [hbm4b:s29+s2], $0x400, $0x38;
	[tilespmem:$0x13C00] =	vst v63  }
0xe8: {  	_ =	swait.ge [sflag:s9], $0x8000  }
0xe9: {  	[sflag:s9] =	ssyncset.done $0x0  }
0xea: {  	[sflag:s9] =	ssyncadd.s32 $0xFFFF8000  }
0xeb: {  	s30 =	sld [smem:$0x0];
	_ =	sdelay $0x2  }
0xec: {  	s18 =	sand.u32 $0x7, s30  }
0xed: {  	s18 =	sshll.u32 s18, $0x7  }
0xee: {  	s24 =	sadd.s32 $0x3400, s18  }
0xef: {  	v1 =	vld [tilespmem:s24+$0x0];
	_ =	sdelay $0x2  }
0xf0: {  	s31 =	simm.s32 $0x0  }
0xf1: {  	s18 =	sand.u32 $0x7C0, s31  }
0xf2: {  	[tilespmem:s18+$0x13400] =	vst v1  }
0xf3: {  	v1 =	vld [tilespmem:s24+$0x10];
	_ =	sdelay $0x3  }
0xf4: {  	s22 =	sadd.s32 $0x13400, s18  }
0xf5: {  	[tilespmem:s22+$0x10] =	vst v1  }
0xf6: {  	v1 =	vld [tilespmem:s24+$0x20];
	_ =	sdelay $0x4  }
0xf7: {  	s20 =	simm.s32 $0x1;
	s19 =	simm.s32 $0x3400;
	[tilespmem:s22+$0x20] =	vst v1  }
0xf8: {  	s21 =	simm.s32 $0x80;
	s18 =	simm.s32 $0x40;
	s23 =	sld [smem:$0x1];
	v1 =	vld [tilespmem:s24+$0x30]  }
.LBB2_11:
0xf9: {  	p0 =	sne.s32 s21, $0x7C0;
	_ =	sdelay $0x1  }
0xfa: {  	s23 =	sand.u32 $0x7, s23  }
0xfb: {  	s19 =	sadd.s32 $0x400, s19;
	s23 =	sshll.u32 s23, $0x7  }
0xfc: {  	s24 =	sadd.s32 s23, s19;
	[tilespmem:s22+$0x30] =	vst v1  }
0xfd: {  	v1 =	vld [tilespmem:s24+$0x0];
	_ =	sdelay $0x3  }
0xfe: {  	s22 =	sand.u32 $0x7C0, s18;
	s18 =	smov.u32 s21  }
0xff: {  	[tilespmem:s22+$0x13400] =	vst v1  }
0x100: {  	v1 =	vld [tilespmem:s24+$0x10];
	_ =	sdelay $0x3  }
0x101: {  	s22 =	sadd.s32 $0x13400, s22  }
0x102: {  	[tilespmem:s22+$0x10] =	vst v1  }
0x103: {  	v1 =	vld [tilespmem:s24+$0x20];
	_ =	sdelay $0x1  }
.Ltmp4:
0x104: {  	(pc) =	sbr.rel @p0 .LBB2_11-.Ltmp4, $3  }
0x105: {  	_ =	sdelay $0x1  }
0x106: {  	s20 =	sadd.s32 $0x1, s20;
	[tilespmem:s22+$0x20] =	vst v1  }
0x107: {  	s21 =	sadd.s32 $0x40, s21;
	s23 =	sld [smem:s20+$0x0];
	v1 =	vld [tilespmem:s24+$0x30]  }
0x108: {  	_ =	sdelay $0x1  }
0x109: {  	s20 =	sand.u32 $0x7, s23  }
0x10a: {  	s19 =	sadd.s32 $0x400, s19;
	s20 =	sshll.u32 s20, $0x7  }
0x10b: {  	s19 =	sadd.s32 s20, s19;
	[tilespmem:s22+$0x30] =	vst v1  }
0x10c: {  	v1 =	vld [tilespmem:s19+$0x0];
	_ =	sdelay $0x3  }
0x10d: {  	s18 =	sand.u32 $0x7C0, s18  }
0x10e: {  	[tilespmem:s18+$0x13400] =	vst v1  }
0x10f: {  	v1 =	vld [tilespmem:s19+$0x10];
	_ =	sdelay $0x3  }
0x110: {  	s18 =	sadd.s32 $0x13400, s18  }
0x111: {  	[tilespmem:s18+$0x10] =	vst v1  }
0x112: {  	v1 =	vld [tilespmem:s19+$0x20]  }
0x113: {  	s17 =	sadd.s32 s6, s17  }
0x114: {  	s30 =	smulhi.u32 $0x4EC4EC4F, s17;
	_ =	sdelay $0x1  }
0x115: {  	s20 =	sshrl.u32 s30, $0x2  }
0x116: {  	s21 =	smul.u32 $0xD, s20;
	[tilespmem:s18+$0x20] =	vst v1  }
0x117: {  	v1 =	vld [tilespmem:s19+$0x30]  }
0x118: {  	s31 =	smul.u32 $0x6800, s20;
	s17 =	ssub.s32 s17, s21  }
0x119: {  	s17 =	sshll.u32 s17, $0xA  }
0x11a: {  	s17 =	sadd.s32 s17, s31  }
0x11b: {  	p0 =	seq.s32 s15, $0x33;
	s17 =	sshrl.u32 s17, $0x3  }
.Ltmp5:
0x11c: {  	s17 =	sadd.s32 s4, s17;
	[tilespmem:s18+$0x30] =	vst v1;
	(pc) =	sbr.rel @p0 .LBB2_18-.Ltmp5, $4  }
0x11d: {  	[hbm4b:s17+s10] =	stream.strided.scatter [tilespmem:s12], [sflag:$0x3], $0x800, s11, s10, $0x38;
	[tilespmem:$0x13C00] =	vst v63  }
0x11e: {  	_ =	swait.ge [sflag:s8], $0x800  }
0x11f: {  	[sflag:s8] =	ssyncset.done $0x0  }
0x120: {  	[sflag:s8] =	ssyncadd.s32 $0xFFFFF800  }
0x121: {  	s17 =	sshll.u32 s15, $0x8  }
0x122: {  	s18 =	sand.u32 $0x3FFFFF00, s17  }
0x123: {  	v1 =	vld [tilespmem:s18+$0x100];
	_ =	sdelay $0x1  }
0x124: {  	s17 =	simm.s32 $0x0  }
0x125: {  	v2 =	vmov s17  }
0x126: {  	vm0 =	veq.s32 v2, v0  }
0x127: {  	v2 =	vnsel vm0, $0x0, v1  }
0x128: {  	(xrf0) =	vadd.scan.msk.s32 $0xffff, v2;
	_ =	sdelay $0x5  }
0x129: {  	v2, _, _ =	vpop (xrf0)  }
0x12a: {  	(v2sf) =	vpush v2, $0xF  }
0x12b: {  	s19 =	simm.s32 $0x1  }
0x12c: {  	v2 =	vmov s19  }
0x12d: {  	vm12 =	veq.s32 v2, v0  }
0x12e: {  	s28 =	simm.s32 $0x2;
	v3 =	vnsel vm12, $0x0, v1  }
0x12f: {  	s29 =	simm.s32 $0x3;
	v2 =	vmov s28;
	(xrf0) =	vadd.scan.msk.s32 $0xffff, v3  }
0x130: {  	vm13 =	veq.s32 v2, v0;
	v2 =	vmov s29  }
0x131: {  	v3 =	vnsel vm13, $0x0, v1;
	vm14 =	veq.s32 v2, v0  }
0x132: {  	(xrf0) =	vadd.scan.msk.s32 $0xffff, v3;
	v2 =	vnsel vm14, $0x0, v1  }
0x133: {  	(xrf0) =	vadd.scan.msk.s32 $0xffff, v2;
	_ =	sdelay $0x1  }
0x134: {  	s20 =	simm.s32 $0x4;
	v2, _, _ =	vpop (xrf0)  }
0x135: {  	v3 =	vmov s20;
	(v2sf) =	vpush v2, $0xF;
	_ =	sdelay $0x1  }
0x136: {  	v2, _, _ =	vpop (xrf0)  }
0x137: {  	vm15 =	veq.s32 v3, v0;
	v3, _, _ =	vpop (xrf0);
	s21 =	spop (v2sf);
	(v2sf) =	vpush v2, $0xF  }
0x138: {  	(v2sf) =	vpush v3, $0xF;
	_ =	sdelay $0x5  }
0x139: {  	v2 =	vnsel vm15, $0x0, v1;
	s30 =	sshll.u32 s21, $0x4  }
0x13a: {  	s19 =	simm.s32 $0x3400;
	(xrf0) =	vadd.scan.msk.s32 $0xffff, v2;
	s22 =	sand.u32 $0xFFFFF80, s30  }
0x13b: {  	s20 =	simm.s32 $0x5;
	[smem:s17] =	sst s21;
	s31 =	sadd.s32 s3, s22  }
0x13c: {  	[tilespmem:s19], [sflag:$0x1] =	stream.linear.gather [hbm4b:s31+s2], $0x400, $0x38;
	[tilespmem:$0x13C00] =	vst v63  }
.LBB2_14:
0x13d: {  	v2 =	vmov s20;
	p0 =	sne.s32 s20, $0xF;
	s20 =	sadd.s32 $0x1, s20  }
.Ltmp6:
0x13e: {  	s17 =	sadd.s32 $0x1, s17;
	vm0 =	veq.s32 v2, v0;
	s21 =	spop (v2sf);
	(pc) =	sbr.rel @p0 .LBB2_14-.Ltmp6, $4  }
0x13f: {  	v3 =	vnsel vm0, $0x0, v1;
	[smem:s17] =	sst s21;
	s21 =	sshll.u32 s21, $0x4  }
0x140: {  	(xrf0) =	vadd.scan.msk.s32 $0xffff, v3;
	v2, _, _ =	vpop (xrf0);
	s21 =	sand.u32 $0xFFFFF80, s21  }
0x141: {  	s19 =	sadd.s32 $0x400, s19;
	(v2sf) =	vpush v2, $0xF;
	s21 =	sadd.s32 s3, s21  }
0x142: {  	[tilespmem:s19], [sflag:$0x1] =	stream.linear.gather [hbm4b:s21+s2], $0x400, $0x38;
	[tilespmem:$0x13C00] =	vst v63  }
0x143: {  	_ =	sdelay $0x2  }
0x144: {  	v1, _, _ =	vpop (xrf0)  }
0x145: {  	s20 =	spop (v2sf);
	(v2sf) =	vpush v1, $0xF  }
0x146: {  	s21 =	sshll.u32 s20, $0x4  }
0x147: {  	s21 =	sand.u32 $0xFFFFF80, s21  }
0x148: {  	s19 =	sadd.s32 $0x400, s19;
	s21 =	sadd.s32 s3, s21  }
0x149: {  	[tilespmem:s19], [sflag:$0x1] =	stream.linear.gather [hbm4b:s21+s2], $0x400, $0x38;
	[tilespmem:$0x13C00] =	vst v63  }
0x14a: {  	s21 =	spop (v2sf)  }
0x14b: {  	s22 =	sshll.u32 s21, $0x4  }
0x14c: {  	s22 =	sand.u32 $0xFFFFF80, s22  }
0x14d: {  	s19 =	sadd.s32 $0x400, s19;
	s22 =	sadd.s32 s3, s22  }
0x14e: {  	[tilespmem:s19], [sflag:$0x1] =	stream.linear.gather [hbm4b:s22+s2], $0x400, $0x38;
	[tilespmem:$0x13C00] =	vst v63  }
0x14f: {  	s22 =	spop (v2sf)  }
0x150: {  	s23 =	sshll.u32 s22, $0x4  }
0x151: {  	s23 =	sand.u32 $0xFFFFF80, s23  }
0x152: {  	s19 =	sadd.s32 $0x400, s19;
	s23 =	sadd.s32 s3, s23  }
0x153: {  	[tilespmem:s19], [sflag:$0x1] =	stream.linear.gather [hbm4b:s23+s2], $0x400, $0x38;
	[tilespmem:$0x13C00] =	vst v63  }
0x154: {  	s23 =	spop (v2sf)  }
0x155: {  	s24 =	sshll.u32 s23, $0x4  }
0x156: {  	s24 =	sand.u32 $0xFFFFF80, s24  }
0x157: {  	s19 =	sadd.s32 $0x400, s19;
	s24 =	sadd.s32 s3, s24  }
0x158: {  	[tilespmem:s19], [sflag:$0x1] =	stream.linear.gather [hbm4b:s24+s2], $0x400, $0x38;
	[tilespmem:$0x13C00] =	vst v63  }
0x159: {  	v1 =	vld [tilespmem:s18+$0x110];
	_ =	sdelay $0x1  }
0x15a: {  	s19 =	simm.s32 $0x0  }
0x15b: {  	v2 =	vmov s19  }
0x15c: {  	vm0 =	veq.s32 v2, v0  }
0x15d: {  	v2 =	vnsel vm0, $0x0, v1  }
0x15e: {  	(xrf0) =	vadd.scan.msk.s32 $0xffff, v2;
	_ =	sdelay $0x5  }
0x15f: {  	v2, _, _ =	vpop (xrf0)  }
0x160: {  	s24 =	simm.s32 $0x1;
	(v2sf) =	vpush v2, $0xF  }
0x161: {  	v2 =	vmov s24  }
0x162: {  	vm12 =	veq.s32 v2, v0  }
0x163: {  	s25 =	simm.s32 $0x2;
	v3 =	vnsel vm12, $0x0, v1  }
0x164: {  	s26 =	simm.s32 $0x3;
	v2 =	vmov s25;
	(xrf0) =	vadd.scan.msk.s32 $0xffff, v3  }
0x165: {  	vm13 =	veq.s32 v2, v0;
	v2 =	vmov s26  }
0x166: {  	v3 =	vnsel vm13, $0x0, v1;
	vm14 =	veq.s32 v2, v0  }
0x167: {  	(xrf0) =	vadd.scan.msk.s32 $0xffff, v3;
	v2 =	vnsel vm14, $0x0, v1  }
0x168: {  	(xrf0) =	vadd.scan.msk.s32 $0xffff, v2;
	_ =	sdelay $0x1  }
0x169: {  	s31 =	simm.s32 $0x4;
	v2, _, _ =	vpop (xrf0)  }
0x16a: {  	v3 =	vmov s31;
	(v2sf) =	vpush v2, $0xF;
	_ =	sdelay $0x1  }
0x16b: {  	v2, _, _ =	vpop (xrf0)  }
0x16c: {  	vm15 =	veq.s32 v3, v0;
	(v2sf) =	vpush v2, $0xF;
	v3, _, _ =	vpop (xrf0)  }
0x16d: {  	s28 =	spop (v2sf);
	(v2sf) =	vpush v3, $0xF;
	_ =	sdelay $0x1  }
0x16e: {  	s17 =	sadd.s32 $0x1, s17  }
0x16f: {  	[smem:s17] =	sst s20;
	s17 =	sadd.s32 $0x1, s17  }
0x170: {  	[smem:s17] =	sst s21;
	s17 =	sadd.s32 $0x1, s17  }
0x171: {  	[smem:s17] =	sst s22;
	s17 =	sadd.s32 $0x1, s17;
	s29 =	sshll.u32 s28, $0x4  }
0x172: {  	[smem:s17] =	sst s23;
	v2 =	vnsel vm15, $0x0, v1;
	s30 =	sand.u32 $0xFFFFF80, s29  }
0x173: {  	s17 =	simm.s32 $0x10;
	s18 =	simm.s32 $0x7400;
	(xrf0) =	vadd.scan.msk.s32 $0xffff, v2;
	s19 =	sadd.s32 s3, s30  }
0x174: {  	[tilespmem:s18], [sflag:$0x1] =	stream.linear.gather [hbm4b:s19+s2], $0x400, $0x38;
	[tilespmem:$0x13C00] =	vst v63  }
0x175: {  	[smem:s17] =	sst s28;
	s19 =	simm.s32 $0x5  }
.LBB2_16:
0x176: {  	v2 =	vmov s19;
	p0 =	sne.s32 s19, $0xF;
	s19 =	sadd.s32 $0x1, s19  }
.Ltmp7:
0x177: {  	s17 =	sadd.s32 $0x1, s17;
	vm0 =	veq.s32 v2, v0;
	s20 =	spop (v2sf);
	(pc) =	sbr.rel @p0 .LBB2_16-.Ltmp7, $4  }
0x178: {  	v3 =	vnsel vm0, $0x0, v1;
	[smem:s17] =	sst s20;
	s20 =	sshll.u32 s20, $0x4  }
0x179: {  	(xrf0) =	vadd.scan.msk.s32 $0xffff, v3;
	v2, _, _ =	vpop (xrf0);
	s20 =	sand.u32 $0xFFFFF80, s20  }
0x17a: {  	s18 =	sadd.s32 $0x400, s18;
	(v2sf) =	vpush v2, $0xF;
	s20 =	sadd.s32 s3, s20  }
0x17b: {  	[tilespmem:s18], [sflag:$0x1] =	stream.linear.gather [hbm4b:s20+s2], $0x400, $0x38;
	[tilespmem:$0x13C00] =	vst v63  }
0x17c: {  	_ =	sdelay $0x2  }
0x17d: {  	v1, _, _ =	vpop (xrf0)  }
0x17e: {  	s19 =	spop (v2sf);
	(v2sf) =	vpush v1, $0xF;
	_ =	sdelay $0x3  }
0x17f: {  	s20 =	sshll.u32 s19, $0x4;
	s29 =	spop (v2sf)  }
0x180: {  	s20 =	sand.u32 $0xFFFFF80, s20;
	s21 =	sshll.u32 s29, $0x4  }
0x181: {  	s18 =	sadd.s32 $0x400, s18;
	s20 =	sadd.s32 s3, s20;
	s21 =	sand.u32 $0xFFFFF80, s21  }
0x182: {  	[tilespmem:s18], [sflag:$0x1] =	stream.linear.gather [hbm4b:s20+s2], $0x400, $0x38;
	[tilespmem:$0x13C00] =	vst v63  }
0x183: {  	s21 =	sadd.s32 s3, s21;
	s18 =	sadd.s32 $0x400, s18  }
0x184: {  	[tilespmem:s18], [sflag:$0x1] =	stream.linear.gather [hbm4b:s21+s2], $0x400, $0x38;
	[tilespmem:$0x13C00] =	vst v63  }
0x185: {  	s30 =	spop (v2sf)  }
0x186: {  	s22 =	sshll.u32 s30, $0x4  }
0x187: {  	s22 =	sand.u32 $0xFFFFF80, s22  }
0x188: {  	s17 =	sadd.s32 $0x1, s17;
	s18 =	sadd.s32 $0x400, s18;
	s22 =	sadd.s32 s3, s22  }
0x189: {  	[tilespmem:s18], [sflag:$0x1] =	stream.linear.gather [hbm4b:s22+s2], $0x400, $0x38;
	[tilespmem:$0x13C00] =	vst v63  }
0x18a: {  	[smem:s17] =	sst s19;
	s17 =	sadd.s32 $0x1, s17;
	s31 =	spop (v2sf)  }
0x18b: {  	[smem:s17] =	sst s29;
	s17 =	sadd.s32 $0x1, s17;
	s23 =	sshll.u32 s31, $0x4  }
0x18c: {  	[smem:s17] =	sst s30;
	s17 =	sadd.s32 $0x1, s17;
	s23 =	sand.u32 $0xFFFFF80, s23  }
0x18d: {  	s18 =	sadd.s32 $0x400, s18;
	[smem:s17] =	sst s31;
	s23 =	sadd.s32 s3, s23  }
0x18e: {  	[tilespmem:s18], [sflag:$0x1] =	stream.linear.gather [hbm4b:s23+s2], $0x400, $0x38;
	[tilespmem:$0x13C00] =	vst v63  }
.LBB2_18:
0x18f: {  	_ =	swait.ge [sflag:s13], $0x8000  }
0x190: {  	[sflag:s13] =	ssyncset.done $0x0  }
0x191: {  	[sflag:s13] =	ssyncadd.s32 $0xFFFF8000  }
0x192: {  	s17 =	sld [smem:$0x80];
	_ =	sdelay $0x2  }
0x193: {  	s17 =	sand.u32 $0x7, s17  }
0x194: {  	s17 =	sshll.u32 s17, $0x7  }
0x195: {  	s23 =	sadd.s32 $0x0, s17  }
0x196: {  	v1 =	vld [tilespmem:s23+$0xB400];
	_ =	sdelay $0x2  }
0x197: {  	s17 =	simm.s32 $0x0  }
0x198: {  	s18 =	sand.u32 $0x7C0, s17  }
0x199: {  	[tilespmem:s18+$0x13400] =	vst v1  }
0x19a: {  	v1 =	vld [tilespmem:s23+$0xB410];
	_ =	sdelay $0x3  }
0x19b: {  	s21 =	sadd.s32 $0x13400, s18  }
0x19c: {  	[tilespmem:s21+$0x10] =	vst v1  }
0x19d: {  	v1 =	vld [tilespmem:s23+$0xB420];
	_ =	sdelay $0x4  }
0x19e: {  	s19 =	simm.s32 $0x81;
	[tilespmem:s21+$0x20] =	vst v1  }
0x19f: {  	s20 =	simm.s32 $0x2000;
	s18 =	simm.s32 $0x1000;
	s22 =	sld [smem:$0x81];
	v1 =	vld [tilespmem:s23+$0xB430]  }
.LBB2_19:
0x1a0: {  	p0 =	sne.s32 s20, $0x1F000;
	_ =	sdelay $0x1  }
0x1a1: {  	s22 =	sand.u32 $0x7, s22  }
0x1a2: {  	s23 =	sshra.s32 s18, $0x2;
	s18 =	smov.u32 s20;
	s22 =	sshll.u32 s22, $0x7  }
0x1a3: {  	s23 =	sadd.s32 s23, s22;
	[tilespmem:s21+$0x30] =	vst v1  }
0x1a4: {  	v1 =	vld [tilespmem:s23+$0xB400];
	_ =	sdelay $0x2  }
0x1a5: {  	s17 =	sadd.s32 $0x40, s17  }
0x1a6: {  	s21 =	sand.u32 $0x7C0, s17  }
0x1a7: {  	[tilespmem:s21+$0x13400] =	vst v1  }
0x1a8: {  	v1 =	vld [tilespmem:s23+$0xB410];
	_ =	sdelay $0x3  }
0x1a9: {  	s21 =	sadd.s32 $0x13400, s21  }
0x1aa: {  	[tilespmem:s21+$0x10] =	vst v1  }
0x1ab: {  	v1 =	vld [tilespmem:s23+$0xB420];
	_ =	sdelay $0x1  }
.Ltmp8:
0x1ac: {  	(pc) =	sbr.rel @p0 .LBB2_19-.Ltmp8, $3  }
0x1ad: {  	_ =	sdelay $0x1  }
0x1ae: {  	s19 =	sadd.s32 $0x1, s19;
	[tilespmem:s21+$0x20] =	vst v1  }
0x1af: {  	s20 =	sadd.s32 $0x1000, s20;
	s22 =	sld [smem:s19+$0x0];
	v1 =	vld [tilespmem:s23+$0xB430]  }
0x1b0: {  	_ =	sdelay $0x1  }
0x1b1: {  	s19 =	sand.u32 $0x7, s22  }
0x1b2: {  	s18 =	sshra.s32 s18, $0x2;
	s19 =	sshll.u32 s19, $0x7  }
0x1b3: {  	s18 =	sadd.s32 s18, s19;
	[tilespmem:s21+$0x30] =	vst v1  }
0x1b4: {  	v1 =	vld [tilespmem:s18+$0xB400];
	_ =	sdelay $0x2  }
0x1b5: {  	s17 =	sadd.s32 $0x40, s17  }
0x1b6: {  	s17 =	sand.u32 $0x7C0, s17  }
0x1b7: {  	[tilespmem:s17+$0x13400] =	vst v1  }
0x1b8: {  	v1 =	vld [tilespmem:s18+$0xB410];
	_ =	sdelay $0x3  }
0x1b9: {  	s17 =	sadd.s32 $0x13400, s17  }
0x1ba: {  	[tilespmem:s17+$0x10] =	vst v1  }
0x1bb: {  	v1 =	vld [tilespmem:s18+$0xB420]  }
0x1bc: {  	s16 =	sadd.s32 s6, s16  }
0x1bd: {  	s30 =	smulhi.u32 $0x4EC4EC4F, s16;
	_ =	sdelay $0x1  }
0x1be: {  	s19 =	sshrl.u32 s30, $0x2  }
0x1bf: {  	s20 =	smul.u32 $0xD, s19;
	[tilespmem:s17+$0x20] =	vst v1  }
0x1c0: {  	v1 =	vld [tilespmem:s18+$0xB430]  }
0x1c1: {  	s31 =	smul.u32 $0x6800, s19;
	s16 =	ssub.s32 s16, s20  }
0x1c2: {  	s16 =	sshll.u32 s16, $0xA  }
0x1c3: {  	s15 =	sadd.s32 $0x1, s15;
	s16 =	sadd.s32 s16, s31  }
0x1c4: {  	p0 =	sne.s32 s15, $0x34;
	s16 =	sshrl.u32 s16, $0x3  }
.Ltmp9:
0x1c5: {  	s16 =	sadd.s32 s4, s16;
	[tilespmem:s17+$0x30] =	vst v1;
	(pc) =	sbr.rel @p0 .LBB2_6-.Ltmp9, $4  }
0x1c6: {  	[hbm4b:s16+s10] =	stream.strided.scatter [tilespmem:s12], [sflag:$0x3], $0x800, s11, s10, $0x38;
	[tilespmem:$0x13C00] =	vst v63  }
0x1c7: {  	_ =	swait.ge [sflag:s8], $0x800  }
0x1c8: {  	[sflag:s8] =	ssyncset.done $0x0  }
0x1c9: {  	[sflag:s8] =	ssyncadd.s32 $0xFFFFF800  }
0x1ca: {  	s14 =	sadd.s32 $0x1, s14  }
0x1cb: {  	p0 =	sne.s32 s14, s7  }
.Ltmp10:
0x1cc: {  	_ = 	snop;
	(pc) =	sbr.rel @p0 .LBB2_1-.Ltmp10, $1  }
0x1cd: {  	_ =	sdelay $0x3  }
0x1ce: {  	_ =	sfence.sel $0x180000  }
0x1cf: {  	[bflag:$0x0] =	sbarrier.arrive $0xFFFF  }
0x1d0: {  	p0 =	sne.s32 s0, $0x0;
	_ =	strace $0x9000004D  }
0x1d1: {  	s0 =	sadd.s32 @!p0 $0x100000, s1;
	[bflag:$0x2] =	sbarrier.arrive $0xFFFF  }
0x1d2: {  	[sflag:s0] =	ssyncadd.tile.s32 @!p0 $0x1;
	_ =	shalt  }
.Lfunc_end2:
_tile_overlayer_lowered:
.L_overlay_start_2:
0x1d3: {  	(tag) =	ssettag $0x2  }
0x1d4: {  	s0 =	rddreg [dreg:$0x0];
	s2 =	stileid.u32  }
0x1d5: {  	s1 =	rddreg [dreg:$0x1];
	p0 =	sne.s32 s2, $0x0  }
0x1d6: {  	s3 =	rddreg [dreg:$0x2];
	[bflag:$0x3] =	sbarrier.arrive $0xFFFF;
	s2 =	simm.s32 @!p0 $0x1C03  }
0x1d7: {  	[timem:s3], [sflag:s2] =	dma.local @!p0 [hbm:s0], s1  }
0x1d8: {  	s0 =	simm.s32 @!p0 $0x3  }
0x1d9: {  	_ =	swait.ge @!p0 [sflag:s0], s1  }
0x1da: {  	s1 =	ssub.s32 @!p0 $0x0, s1;
	[sflag:s0] =	ssyncset.done @!p0 $0x0  }
0x1db: {  	[sflag:s0] =	ssyncadd.s32 @!p0 s1  }
0x1dc: {  	[bflag:$0x3] =	sbarrier.arrive $0xFFFF  }
0x1dd: {  	_ =	shalt  }

// kernel: kernel.8.cloned.1.call-start
scs
__scs_entry_jumppad:
0x0: {  	(pc) =	sbr.rel $0x88, $3  }
0x1: {  	(tag) =	ssettag $0x0;
	lr =	simm.s32 $0x1  }
0x2: {  	[smem:$0x3F8F] =	sst lr;
	_ =	strace $0xD0000000  }
0x3: {  	_ = 	snop  }
0x4: {  	_ = 	snop  }
0x5: {  	_ = 	snop  }
0x6: {  	_ = 	snop  }
0x7: {  	_ = 	snop  }
__scs_overlays_trampoline_lowered:
0x8: {  	[smem:$0x3F9E] =	sst s0  }
0x9: {  	[smem:$0x3F9F] =	sst s1  }
0xa: {  	[smem:$0x3FA0] =	sst s2  }
0xb: {  	[smem:$0x3FA1] =	sst s3  }
0xc: {  	[smem:$0x3FA2] =	sst s4  }
0xd: {  	[smem:$0x3FA3] =	sst s5  }
0xe: {  	[smem:$0x3FA4] =	sst s6  }
0xf: {  	[smem:$0x3FA5] =	sst s7  }
0x10: {  	[smem:$0x3FA6] =	sst s8  }
0x11: {  	[smem:$0x3FA7] =	sst s9;
	s0 =	simm.s32 @!p0 $0x0  }
0x12: {  	s1 =	sld [smem:$0x3F8D];
	s0 =	simm.s32 @p0 $0x1  }
0x13: {  	[smem:$0x3FA8] =	sst s0;
	s0 =	simm.s32 @!p1 $0x0  }
0x14: {  	s2 =	sld [smem:$0x3F8C];
	s0 =	simm.s32 @p1 $0x1  }
0x15: {  	[smem:$0x3FA9] =	sst s0;
	s0 =	simm.s32 @!p2 $0x0  }
0x16: {  	s3 =	sld [smem:$0x3FDB];
	s0 =	simm.s32 @p2 $0x1  }
0x17: {  	s4 =	simm.s32 $0x1BF5;
	[smem:$0x3FAB] =	sst s0  }
0x18: {  	s0 =	sld [smem:$0x3F8E];
	_ =	swait.ge [sflag:s4], $0x0  }
0x19: {  	s7 =	sld [smem:$0x3F8F]  }
0x1a: {  	s8 =	sadd.s32 $0xFFFFE003, lr  }
0x1b: {  	s9 =	sadd.s32 $0xFFFFFEF7, lr;
	s5 =	simm.s32 $0xFFFFFFFF;
	p2 =	slt.u32 s8, $0xFFFFF086  }
0x1c: {  	p1 =	slt.u32 s9, $0xF7A;
	s5 =	simm.s32 @!p2 $0x0  }
0x1d: {  	s5 =	simm.s32 @p1 $0x1;
	p0 =	seq.s32 s7, s2  }
0x1e: {  	s7 =	smul.u32 @!p0 $0xF7A, s2;
	p2 =	seq.s32 @!p0 s5, $0x0  }
0x1f: {  	s9 =	smul.u32 $0xF7A, s1;
	s8 =	simm.s32 @!p0 $0x1BF5;
	p2 =	por !p2, p0  }
0x20: {  	[sflag:s8] =	ssyncset.s32 @!p0 $0xFFFFF086;
	s6 =	sadd.s32 @!p0 s3, s7;
	s7 =	simm.s32 @!p0 $0x108  }
0x21: {  	s3 =	sadd.s32 s3, s9;
	s6 =	sadd.s32 @!p0 $0x88, s6;
	s7 =	simm.s32 @p2 $0x1082  }
0x22: {  	[simem:s7], [sflag:s8] =	dma.local @!p0 [hbm:s6], $0xF7A  }
0x23: {  	s9 =	sor.u32 $0xD0000000, s2;
	s6 =	simm.s32 $0x108;
	_ =	swait.ge @!p0 [sflag:s8], $0x0  }
0x24: {  	s3 =	sadd.s32 $0x88, s3;
	s6 =	simm.s32 @!p1 $0x1082;
	[sflag:s4] =	ssyncset.s32 $0xFFFFF086  }
0x25: {  	[simem:s6], [sflag:s4] =	dma.local [hbm:s3], $0xF7A  }
0x26: {  	[smem:$0x3F8F] =	sst s1;
	(tag) =	ssettag s2;
	_ =	strace s9  }
0x27: {  	s1 =	sld [smem:$0x3F9F]  }
0x28: {  	s2 =	sld [smem:$0x3FA0]  }
0x29: {  	s4 =	sld [smem:$0x3FA2]  }
0x2a: {  	p0 =	seq.s32 s5, $0x0;
	s5 =	sld [smem:$0x3FA3]  }
0x2b: {  	s6 =	sld [smem:$0x3FA4]  }
0x2c: {  	s7 =	sld [smem:$0x3FA5]  }
0x2d: {  	s3 =	simm.s32 $0x108;
	s8 =	sld [smem:$0x3FA6]  }
0x2e: {  	s3 =	simm.s32 @!p0 $0x1082;
	s9 =	sld [smem:$0x3FA7]  }
0x2f: {  	lr =	sadd.s32 s0, s3;
	s0 =	sld [smem:$0x3F9E]  }
0x30: {  	s3 =	sld [smem:$0x3FA1]  }
0x31: {  	[smem:$0x3FAA] =	sst s10  }
0x32: {  	s10 =	sld [smem:$0x3FA8];
	_ =	sdelay $0x3  }
0x33: {  	p0 =	seq.s32 s10, $0x1;
	s10 =	sld [smem:$0x3FAA];
	_ =	sdelay $0x3  }
0x34: {  	[smem:$0x3FAA] =	sst s10  }
0x35: {  	s10 =	sld [smem:$0x3FA9];
	_ =	sdelay $0x3  }
0x36: {  	p1 =	seq.s32 s10, $0x1;
	s10 =	sld [smem:$0x3FAA];
	_ =	sdelay $0x3  }
0x37: {  	[smem:$0x3FAA] =	sst s10  }
0x38: {  	s10 =	sld [smem:$0x3FAB]  }
0x39: {  	_ = 	snop;
	(pc) =	sbr.ind lr, $3  }
0x3a: {  	_ = 	snop  }
0x3b: {  	_ = 	snop  }
0x3c: {  	p2 =	seq.s32 s10, $0x1;
	s10 =	sld [smem:$0x3FAA]  }
0x3d: {  	_ =	shalt  }
0x3e: {  	_ =	shalt  }
0x3f: {  	_ =	shalt  }
0x40: {  	_ =	shalt  }
0x41: {  	_ =	shalt  }
0x42: {  	_ =	shalt  }
0x43: {  	_ =	shalt  }
0x44: {  	_ =	shalt  }
0x45: {  	_ =	shalt  }
0x46: {  	_ =	shalt  }
0x47: {  	_ =	shalt  }
0x48: {  	_ =	shalt  }
0x49: {  	_ =	shalt  }
0x4a: {  	_ =	shalt  }
0x4b: {  	_ =	shalt  }
0x4c: {  	_ =	shalt  }
0x4d: {  	_ =	shalt  }
0x4e: {  	_ =	shalt  }
0x4f: {  	_ =	shalt  }
0x50: {  	_ =	shalt  }
0x51: {  	_ =	shalt  }
0x52: {  	_ =	shalt  }
0x53: {  	_ =	shalt  }
0x54: {  	_ =	shalt  }
0x55: {  	_ =	shalt  }
0x56: {  	_ =	shalt  }
0x57: {  	_ =	shalt  }
0x58: {  	_ =	shalt  }
0x59: {  	_ =	shalt  }
0x5a: {  	_ =	shalt  }
0x5b: {  	_ =	shalt  }
0x5c: {  	_ =	shalt  }
0x5d: {  	_ =	shalt  }
0x5e: {  	_ =	shalt  }
0x5f: {  	_ =	shalt  }
0x60: {  	_ =	shalt  }
0x61: {  	_ =	shalt  }
0x62: {  	_ =	shalt  }
0x63: {  	_ =	shalt  }
0x64: {  	_ =	shalt  }
0x65: {  	_ =	shalt  }
0x66: {  	_ =	shalt  }
0x67: {  	_ =	shalt  }
0x68: {  	_ =	shalt  }
0x69: {  	_ =	shalt  }
0x6a: {  	_ =	shalt  }
0x6b: {  	_ =	shalt  }
0x6c: {  	_ =	shalt  }
0x6d: {  	_ =	shalt  }
0x6e: {  	_ =	shalt  }
0x6f: {  	_ =	shalt  }
0x70: {  	_ =	shalt  }
0x71: {  	_ =	shalt  }
0x72: {  	_ =	shalt  }
0x73: {  	_ =	shalt  }
0x74: {  	_ =	shalt  }
0x75: {  	_ =	shalt  }
0x76: {  	_ =	shalt  }
0x77: {  	_ =	shalt  }
0x78: {  	_ =	shalt  }
0x79: {  	_ =	shalt  }
0x7a: {  	_ =	shalt  }
0x7b: {  	_ =	shalt  }
0x7c: {  	_ =	shalt  }
0x7d: {  	_ =	shalt  }
0x7e: {  	_ =	shalt  }
0x7f: {  	_ =	shalt  }
0x80: {  	_ =	shalt  }
0x81: {  	_ =	shalt  }
0x82: {  	_ =	shalt  }
0x83: {  	_ =	shalt  }
0x84: {  	_ =	shalt  }
0x85: {  	_ =	shalt  }
0x86: {  	_ =	shalt  }
0x87: {  	_ =	shalt  }
.Lfunc_end0:
.L_simem_size_0:
called_computation.2_lowered:
.L_overlay_start_0:
0x88: {  	s2 =	sld [smem:$0x3FD9]  }
0x89: {  	s3 =	sld [smem:$0x3FFE];
	_ =	sdelay $0x1  }
0x8a: {  	s1 =	srdreg.scid  }
0x8b: {  	s0 =	sand.u32 $0x1, s1  }
0x8c: {  	s17 =	sshll.u32 s0, $0xA;
	s2 =	sadd.s32 s3, s2  }
0x8d: {  	s2 =	sadd.s32 s2, s17  }
0x8e: {  	[smem:$0x3FB6] =	sst s2  }
0x8f: {  	_ = 	snop  }
0x90: {  	(tm) =	ssettm $0x1  }
0x91: {  	s18 =	sld [smem:$0x3FFB];
	_ =	sdelay $0x3  }
0x92: {  	_ =	strace s18  }
0x93: {  	s2 =	sld [smem:$0x3FFC];
	_ =	sdelay $0x3  }
0x94: {  	_ =	strace s2  }
0x95: {  	s2 =	sld [smem:$0x3FFD];
	_ =	sdelay $0x3  }
0x96: {  	_ =	strace s2  }
0x97: {  	_ =	strace $0x8FFFFFFF  }
0x98: {  	s19 =	sld [smem:$0x3FDB];
	_ =	sdelay $0x1  }
0x99: {  	s20 =	simm.s32 $_scs_section_size  }
0x9a: {  	s4 =	simm.s32 $_size__tile_overlayer_lowered;
	s5 =	simm.s32 $_tile_overlayer_lowered  }
0x9b: {  	s6 =	simm.s32 $0x1BFF;
	s21 =	sshll.u32 s5, $0x1;
	s3 =	sadd.s32 s20, s19  }
0x9c: {  	s22 =	simm.s32 $0x0;
	s4 =	sshll.u32 s4, $0x1;
	s5 =	sadd.s32 s21, s3  }
0x9d: {  	[timem:s22], [sflag:s6] =	dma.local [hbm:s5], s4  }
0x9e: {  	_ =	swait.ge [sflag:s6], s4  }
0x9f: {  	s4 =	ssub.s32 $0x0, s4;
	[sflag:s6] =	ssyncset.done $0x0  }
0xa0: {  	[sflag:s6] =	ssyncadd.s32 s4;
	_ =	sdelay $0x1  }
0xa1: {  	s23 =	simm.s32 $0x1B8B  }
0xa2: {  	_ =	swait.ge [sflag:s23], $0x1  }
0xa3: {  	[sflag:s23] =	ssyncset.done $0x0  }
0xa4: {  	[sflag:s23] =	ssyncadd.s32 $0xFFFFFFFF  }
0xa5: {  	s4 =	sld [smem:$0x0]  }
0xa6: {  	s5 =	sand.u32 $0xFFFFFFFE, s1  }
0xa7: {  	p0 =	sne.s32 s1, s5  }
0xa8: {  	s5 =	sshll.u32 @p0 s5, $0xE  }
0xa9: {  	s5 =	sadd.s32 @p0 $0x11B8D, s5;
	s6 =	sshll.u32 @p0 s4, $0x11  }
0xaa: {  	s5 =	sor.u32 @p0 s6, s5  }
0xab: {  	[sflag:s5] =	ssyncadd.remote.s32 @p0 $0x1;
	_ =	sdelay $0x1  }
0xac: {  	s5 =	simm.s32 @p0 $0x1B8D  }
0xad: {  	_ =	swait.eq @p0 [sflag:s5], $0x1  }
0xae: {  	[sflag:s5] =	ssyncadd.s32 @p0 $0xFFFFFFFF  }
0xaf: {  	s6 =	sshll.u32 @!p0 s1, $0xE  }
0xb0: {  	s6 =	sor.u32 @!p0 $0x4000, s6;
	s5 =	simm.s32 @!p0 $0x1B8D  }
0xb1: {  	s4 =	sshll.u32 @!p0 s4, $0x11;
	s6 =	sadd.s32 @!p0 $0x11B8D, s6;
	_ =	swait.eq @!p0 [sflag:s5], $0x1  }
0xb2: {  	s4 =	sor.u32 @!p0 s4, s6;
	[sflag:s5] =	ssyncadd.s32 @!p0 $0xFFFFFFFF  }
0xb3: {  	s25 =	simm.s32 $0x1B8E;
	s24 =	sld [smem:$0x3FFE];
	[sflag:s4] =	ssyncadd.remote.s32 @!p0 $0x1  }
0xb4: {  	s26 =	simm.s32 $execute0_lowered;
	[smem:$0x3FD2] =	sst s25  }
0xb5: {  	s5 =	sshll.u32 s26, $0x1;
	_ =	strace $0x80000049;
	[dreg:$0x1] =	wrdreg $0xFFFFFFFF  }
0xb6: {  	s28 =	simm.s32 $_size_execute0_lowered;
	s3 =	sadd.s32 s3, s5;
	[dreg:$0x0] =	wrdreg $0x0  }
0xb7: {  	s5 =	sshll.u32 s28, $0x1;
	[dreg:$0x2] =	wrdreg s3  }
0xb8: {  	[dreg:$0x3] =	wrdreg s5  }
0xb9: {  	[dreg:$0x4] =	wrdreg $0xC0  }
0xba: {  	_ =	task [dreg:s22], $0x5FFFF  }
0xbb: {  	[dreg:$0x1] =	wrdreg $0xFFFFFFFF  }
0xbc: {  	[dreg:$0x0] =	wrdreg $0x60  }
0xbd: {  	[dreg:$0x2] =	wrdreg s24  }
0xbe: {  	[dreg:$0x3] =	wrdreg $0x9  }
0xbf: {  	_ =	task.clear_ibuf [dreg:s22], $0x4FFFF;
	_ =	strace $0x90000049  }
0xc0: {  	s29 =	simm.s32 $0x9;
	_ =	strace $0x8000004B  }
0xc1: {  	_ =	swait.ge [sflag:s29], $0x1  }
0xc2: {  	[sflag:s29] =	ssyncadd.s32 $0xFFFFFFFF  }
0xc3: {  	_ =	strace $0x9000004B  }
0xc4: {  	_ =	sfence  }
0xc5: {  	s30 =	sld [smem:$0x0];
	_ =	sdelay $0x2  }
0xc6: {  	s31 =	sshll.u32 s1, $0xD;
	s1 =	sshrl.u32 s1, $0x2  }
0xc7: {  	s4 =	sand.u32 $0x4000, s31;
	s1 =	sadd.s32 s1, s30  }
0xc8: {  	s0 =	sor.u32 s4, s0;
	s1 =	sshll.u32 s1, $0x11  }
0xc9: {  	s0 =	sor.u32 s1, s0  }
0xca: {  	s0 =	sadd.s32 $0x8F2B, s0  }
0xcb: {  	[sflag:s0] =	ssyncadd.remote.s32 $0x1  }
0xcc: {  	_ =	sfence.sel $0xFFFF  }
0xcd: {  	[dreg:$0x0] =	wrdreg $0xFFFFFFFF;
	(pc) =	sbr.abs _section_cstart, $3  }
0xce: {  	[dreg:$0x1] =	wrdreg $0xFFFFFFFF  }
0xcf: {  	_ =	task.clear_ibuf [dreg:s22], $0x2FFFF;
	_ =	strace $0x9FFFFFFF  }
0xd0: {  	(tm) =	ssettm $0x7FFFFFFF  }
0xd1: {  	_ =	shalt  }
tec
execute0_lowered:
.L_overlay_start_1:
0x0: {  	(tag) =	ssettag $0x1  }
0x1: {  	s1 =	srdreg.scid;
	s0 =	stileid.u32  }
0x2: {  	s4 =	rddreg [dreg:$0x0];
	s2 =	simm.s32 $0x0;
	s10 =	simm.s32 $0x1  }
0x3: {  	s11 =	simm.s32 $0x0;
	s3 =	sand.u32 $0x1, s1;
	s1 =	rddreg [dreg:$0x1]  }
0x4: {  	s5 =	sshll.u32 s0, $0x1;
	[smem:$0x7FF] =	sst s2;
	s6 =	smul.u32 $0x3400, s0  }
0x5: {  	s5 =	sor.u32 s3, s5;
	s7 =	ssub.s32 $0x2, s3;
	s9 =	smul.u32 $0x1A00, s3  }
0x6: {  	_ =	strace $0x8000004A;
	s5 =	smul.u32 $0xD00, s5;
	s8 =	sshrl.u32 s7, $0x1  }
0x7: {  	s3 =	sadd.s32 $0x27B6400, s4;
	s6 =	sadd.s32 s6, s4;
	s7 =	ssub.s32 s7, s8  }
0x8: {  	s6 =	sadd.s32 s9, s6;
	s8 =	simm.s32 $0x80;
	s5 =	sshrl.u32 s5, $0x3  }
0x9: {  	s9 =	simm.s32 $0xD00;
	s6 =	sadd.s32 $0x2805A00, s6;
	s5 =	sadd.s32 s5, s4  }
0xa: {  	s4 =	sadd.s32 $0x27B3000, s5;
	s5 =	smax.u32 s7, $0x1;
	s7 =	simm.s32 $0x2  }
.LBB2_1:
0xb: {  	[tilespmem:s2], [sflag:$0x2] =	stream.linear.gather [hbm4b:s4+s2], $0xD00, $0x38;
	[tilespmem:$0x1500] =	vst v63  }
0xc: {  	_ =	swait.ge [sflag:s7], $0xD00  }
0xd: {  	[sflag:s7] =	ssyncset.done $0x0  }
0xe: {  	[sflag:s7] =	ssyncadd.s32 $0xFFFFF300  }
0xf: {  	[tilespmem:s9], [sflag:$0x1] =	stream.indirect.gather [hbm4b:s3+s8], $0x10, s2, s8, $0xb8;
	[tilespmem:$0x1500] =	vst v63  }
0x10: {  	_ =	swait.ge [sflag:s10], $0x800  }
0x11: {  	[sflag:s10] =	ssyncset.done $0x0  }
0x12: {  	s12 =	sadd.s32 $0x0, s6;
	[sflag:s10] =	ssyncadd.s32 $0xFFFFF800  }
0x13: {  	[hbm4b:s12+s2] =	stream.linear.scatter [tilespmem:s9], [sflag:$0x2], $0x800, $0x38;
	[tilespmem:$0x1500] =	vst v63  }
0x14: {  	_ =	swait.ge [sflag:s7], $0x800  }
0x15: {  	s13 =	simm.s32 $0x0;
	s12 =	simm.s32 $0x100;
	[sflag:s7] =	ssyncset.done $0x0  }
.LBB2_2:
0x16: {  	p0 =	sne.s32 s12, $0x1900;
	[sflag:s7] =	ssyncadd.s32 $0xFFFFF800;
	s13 =	sadd.s32 $0x80, s13  }
0x17: {  	[tilespmem:s9], [sflag:$0x1] =	stream.indirect.gather [hbm4b:s3+s8], $0x10, s13, s8, $0xb8;
	[tilespmem:$0x1500] =	vst v63  }
0x18: {  	s14 =	smov.u32 s12;
	s12 =	sadd.s32 $0x100, s12;
	_ =	swait.ge [sflag:s10], $0x800  }
.Ltmp0:
0x19: {  	[sflag:s10] =	ssyncset.done $0x0;
	(pc) =	sbr.rel @p0 .LBB2_2-.Ltmp0, $4  }
0x1a: {  	s14 =	sadd.s32 s14, s6;
	[sflag:s10] =	ssyncadd.s32 $0xFFFFF800  }
0x1b: {  	[hbm4b:s14+s2] =	stream.linear.scatter [tilespmem:s9], [sflag:$0x2], $0x800, $0x38;
	[tilespmem:$0x1500] =	vst v63  }
0x1c: {  	_ =	swait.ge [sflag:s7], $0x800  }
0x1d: {  	[sflag:s7] =	ssyncset.done $0x0  }
0x1e: {  	s11 =	sadd.s32 $0x1, s11  }
0x1f: {  	p0 =	sne.s32 s11, s5  }
.Ltmp1:
0x20: {  	_ = 	snop;
	(pc) =	sbr.rel @p0 .LBB2_1-.Ltmp1, $2  }
0x21: {  	_ =	sdelay $0x2  }
0x22: {  	[sflag:s7] =	ssyncadd.s32 $0xFFFFF800  }
0x23: {  	_ =	sfence.sel $0x180000  }
0x24: {  	[bflag:$0x0] =	sbarrier.arrive $0xFFFF  }
0x25: {  	p0 =	sne.s32 s0, $0x0;
	_ =	strace $0x9000004A  }
0x26: {  	s0 =	sadd.s32 @!p0 $0x100000, s1;
	[bflag:$0x2] =	sbarrier.arrive $0xFFFF  }
0x27: {  	[sflag:s0] =	ssyncadd.tile.s32 @!p0 $0x1;
	_ =	shalt  }
.Lfunc_end2:
_tile_overlayer_lowered:
.L_overlay_start_2:
0x28: {  	(tag) =	ssettag $0x2  }
0x29: {  	s0 =	rddreg [dreg:$0x0];
	s2 =	stileid.u32  }
0x2a: {  	s1 =	rddreg [dreg:$0x1];
	p0 =	sne.s32 s2, $0x0  }
0x2b: {  	s3 =	rddreg [dreg:$0x2];
	[bflag:$0x3] =	sbarrier.arrive $0xFFFF;
	s2 =	simm.s32 @!p0 $0x1C02  }
0x2c: {  	[timem:s3], [sflag:s2] =	dma.local @!p0 [hbm:s0], s1  }
0x2d: {  	s0 =	simm.s32 @!p0 $0x2  }
0x2e: {  	_ =	swait.ge @!p0 [sflag:s0], s1  }
0x2f: {  	s1 =	ssub.s32 @!p0 $0x0, s1;
	[sflag:s0] =	ssyncset.done @!p0 $0x0  }
0x30: {  	[sflag:s0] =	ssyncadd.s32 @!p0 s1  }
0x31: {  	[bflag:$0x3] =	sbarrier.arrive $0xFFFF  }
0x32: {  	_ =	shalt  }

// kernel: sparse-core-data-format-call.cloned.1.call-start
scs
called_computation_lowered:
.L_overlay_start_0:
0x0: {  	s2 =	sld [smem:$0x3FD9]  }
0x1: {  	s3 =	sld [smem:$0x3FFE];
	_ =	sdelay $0x1  }
0x2: {  	s1 =	srdreg.scid  }
0x3: {  	s0 =	sand.u32 $0x1, s1  }
0x4: {  	s18 =	sshll.u32 s0, $0xA;
	s2 =	sadd.s32 s3, s2  }
0x5: {  	s2 =	sadd.s32 s2, s18  }
0x6: {  	[smem:$0x3FB6] =	sst s2  }
0x7: {  	_ = 	snop  }
0x8: {  	s2 =	sld [smem:$0x3FC7];
	(tm) =	ssettm $0x1  }
0x9: {  	s19 =	sld [smem:$0x3FFB];
	_ =	sdelay $0x3  }
0xa: {  	_ =	strace s19  }
0xb: {  	s3 =	sld [smem:$0x3FFC];
	_ =	sdelay $0x3  }
0xc: {  	_ =	strace s3  }
0xd: {  	s3 =	sld [smem:$0x3FFD];
	_ =	sdelay $0x3  }
0xe: {  	_ =	strace s3  }
0xf: {  	_ =	strace $0x8FFFFFFF  }
0x10: {  	s20 =	sld [smem:$0x3FDB];
	_ =	sdelay $0x1  }
0x11: {  	s4 =	simm.s32 $_scs_section_size  }
0x12: {  	s5 =	simm.s32 $_size__tile_overlayer_lowered;
	s6 =	simm.s32 $_tile_overlayer_lowered  }
0x13: {  	s23 =	simm.s32 $0x1BFF;
	s22 =	sshll.u32 s6, $0x1;
	s3 =	sadd.s32 s4, s20  }
0x14: {  	s7 =	simm.s32 $0x0;
	s21 =	sshll.u32 s5, $0x1;
	s5 =	sadd.s32 s22, s3  }
0x15: {  	[timem:s7], [sflag:s23] =	dma.local [hbm:s5], s21  }
0x16: {  	_ =	swait.ge [sflag:s23], s21  }
0x17: {  	s4 =	ssub.s32 $0x0, s21;
	[sflag:s23] =	ssyncset.done $0x0  }
0x18: {  	[sflag:s23] =	ssyncadd.s32 s4;
	_ =	sdelay $0x1  }
0x19: {  	s24 =	simm.s32 $0x1B8B  }
0x1a: {  	_ =	swait.ge [sflag:s24], $0x1  }
0x1b: {  	[sflag:s24] =	ssyncset.done $0x0  }
0x1c: {  	s26 =	simm.s32 $0x1B8E;
	s25 =	sld [smem:$0x3FFE];
	[sflag:s24] =	ssyncadd.s32 $0xFFFFFFFF  }
0x1d: {  	s27 =	simm.s32 $execute0_lowered;
	[smem:$0x3FD2] =	sst s26  }
0x1e: {  	s5 =	sshll.u32 s27, $0x1;
	_ =	strace $0x80000046;
	[dreg:$0x1] =	wrdreg $0xFFFFFFFF  }
0x1f: {  	s28 =	simm.s32 $_size_execute0_lowered;
	s3 =	sadd.s32 s3, s5;
	[dreg:$0x0] =	wrdreg $0x0  }
0x20: {  	s5 =	sshll.u32 s28, $0x1;
	[dreg:$0x2] =	wrdreg s3  }
0x21: {  	[dreg:$0x3] =	wrdreg s5  }
0x22: {  	[dreg:$0x4] =	wrdreg $0xC0  }
0x23: {  	_ =	task [dreg:s7], $0x5FFFF  }
0x24: {  	[dreg:$0x1] =	wrdreg $0xFFFFFFFF  }
0x25: {  	[dreg:$0x0] =	wrdreg $0x60  }
0x26: {  	[dreg:$0x2] =	wrdreg s2  }
0x27: {  	[dreg:$0x3] =	wrdreg s25  }
0x28: {  	[dreg:$0x4] =	wrdreg $0xA  }
0x29: {  	_ =	task.clear_ibuf [dreg:s7], $0x5FFFF;
	_ =	strace $0x90000046  }
0x2a: {  	s29 =	simm.s32 $0xA;
	_ =	strace $0x80000048  }
0x2b: {  	_ =	swait.ge [sflag:s29], $0x1  }
0x2c: {  	[sflag:s29] =	ssyncadd.s32 $0xFFFFFFFF  }
0x2d: {  	_ =	strace $0x90000048  }
0x2e: {  	_ =	sfence  }
0x2f: {  	s30 =	sld [smem:$0x0];
	_ =	sdelay $0x2  }
0x30: {  	s31 =	sshll.u32 s1, $0xD;
	s1 =	sshrl.u32 s1, $0x2  }
0x31: {  	s3 =	sand.u32 $0x4000, s31;
	s1 =	sadd.s32 s1, s30  }
0x32: {  	s0 =	sor.u32 s3, s0;
	s1 =	sshll.u32 s1, $0x11  }
0x33: {  	s0 =	sor.u32 s1, s0  }
0x34: {  	s0 =	sadd.s32 $0x8F2B, s0  }
0x35: {  	[sflag:s0] =	ssyncadd.remote.s32 $0x1  }
0x36: {  	_ =	sfence.sel $0xFFFF  }
0x37: {  	[dreg:$0x0] =	wrdreg $0xFFFFFFFF;
	(pc) =	sbr.abs _section_cstart, $3  }
0x38: {  	[dreg:$0x1] =	wrdreg $0xFFFFFFFF  }
0x39: {  	_ =	task.clear_ibuf [dreg:s7], $0x2FFFF;
	_ =	strace $0x9FFFFFFF  }
0x3a: {  	(tm) =	ssettm $0x7FFFFFFF  }
0x3b: {  	_ =	shalt  }
tec
execute0_lowered:
.L_overlay_start_1:
0x0: {  	(tag) =	ssettag $0x1  }
0x1: {  	s0 =	srdreg.scid;
	s2 =	rddreg [dreg:$0x0]  }
0x2: {  	s5 =	rddreg [dreg:$0x1];
	s1 =	stileid.u32  }
0x3: {  	s4 =	simm.s32 $0x1;
	s6 =	simm.s32 $0x2;
	s15 =	simm.s32 $0x0  }
0x4: {  	p0 =	por $0x0, $0x0;
	s8 =	simm.s32 $0x80;
	s0 =	sshll.u32 s0, $0x4  }
0x5: {  	s14 =	simm.s32 $0x0;
	s9 =	simm.s32 $0x0;
	s3 =	sand.u32 $0x10, s0  }
.Ltmp0:
0x6: {  	s10 =	simm.s32 $0x0;
	s3 =	sor.u32 s1, s3;
	(pc) =	sbr.rel .LBB1_1-.Ltmp0, $4  }
0x7: {  	s0 =	rddreg [dreg:$0x2];
	_ =	strace $0x80000047;
	s3 =	sshll.u32 s3, $0x7  }
0x8: {  	s12 =	simm.s32 $0x0;
	[sflag:s4] =	ssyncpa.u1 $0x0;
	s7 =	ssub.s32 $0x27AC00, s3  }
0x9: {  	s13 =	simm.s32 $0x0;
	[sflag:s6] =	ssyncpa.u1 $0x0;
	s6 =	sshrl.u32 s7, $0xC  }
0xa: {  	s5 =	sadd.s32 $0x2C00, s5;
	s11 =	smov.u32 s3;
	s7 =	sadd.s32 $0x2, s6  }
.LBB1_5:
0xb: {  	p1 =	slt.u32 s13, $0x2  }
0xc: {  	s17 =	smov.u32 s15;
	p2 =	sgt.s32 @!p1 s15, $0x27ABC0;
	s16 =	sshra.s32 @!p1 s15, $0x1F  }
0xd: {  	p3 =	sgt.s32 @!p1 s14, $0x40;
	s18 =	sshra.s32 @!p1 s14, $0x1F;
	p2 =	por !p2, p1  }
0xe: {  	s15 =	sand.u32 @!p1 s16, s15;
	p3 =	por !p3, p1;
	s16 =	smov.u32 s14  }
0xf: {  	s14 =	sand.u32 @!p1 s18, s14;
	s17 =	simm.s32 @p2 $0x27ABC0;
	s16 =	simm.s32 @p3 $0x40  }
0x10: {  	s15 =	ssub.s32 @!p1 s17, s15;
	s14 =	ssub.s32 @!p1 s16, s14  }
0x11: {  	s18 =	smov.u32 s12;
	s16 =	sadd.s32 @!p1 $0xFFD85440, s15;
	s17 =	sadd.s32 @!p1 $0xFFFFFFC0, s14  }
0x12: {  	s15 =	ssub.s32 @!p1 $0x27AC40, s15;
	p2 =	sgt.s32 @!p1 s16, $0x7F;
	p3 =	sgt.s32 @!p1 s17, $0x3F  }
0x13: {  	s14 =	ssub.s32 @!p1 $0x80, s14;
	p2 =	por !p2, p1;
	p3 =	por !p3, p1  }
0x14: {  	s16 =	sadd.s32 $0x1000, s11;
	s15 =	simm.s32 @!p2 $0x0;
	s14 =	simm.s32 @!p3 $0x0  }
0x15: {  	p2 =	sgt.s32 s16, $0x27AC3F;
	s14 =	smul.u32 @!p1 s14, s15;
	s15 =	sadd.s32 $0x40, s12  }
0x16: {  	s18 =	smov.u32 @p2 s15  }
0x17: {  	s16 =	smov.u32 @p2 s3;
	p2 =	sgt.s32 s18, $0x3F  }
0x18: {  	s18 =	simm.s32 @p2 $0x0;
	p2 =	sne.s32 s13, s7  }
.Ltmp1:
0x19: {  	p0 =	por !p0, !p0;
	s17 =	simm.s32 @!p1 $0x2;
	(pc) =	sbr.rel @!p2 .LBB1_6-.Ltmp1, $4  }
0x1a: {  	s15 =	smov.u32 s9;
	s9 =	smov.u32 s11;
	s14 =	sand.u32 @!p1 $0x3FFFFFFF, s14  }
0x1b: {  	s11 =	smov.u32 s16;
	_ =	swait.ge @!p1 [sflag:s17], s14;
	s19 =	ssub.s32 @!p1 $0x0, s14  }
0x1c: {  	s14 =	smov.u32 s10;
	s13 =	sadd.s32 $0x1, s13;
	[sflag:s17] =	ssyncset.done @!p1 $0x0  }
0x1d: {  	s10 =	smov.u32 s12;
	s12 =	smov.u32 s18;
	[sflag:s17] =	ssyncadd.s32 @!p1 s19  }
.LBB1_1:
0x1e: {  	p1 =	sgt.u32 s13, s6  }
0x1f: {  	s16 =	sshrl.u32 @!p1 s12, $0x3  }
0x20: {  	s17 =	sshll.u32 @!p1 s11, $0x3;
	s16 =	smul.u32 @!p1 $0x13D6400, s16  }
0x21: {  	s18 =	sshll.u32 @!p1 s12, $0x7;
	s17 =	sand.u32 @!p1 $0xFFFFFC00, s17  }
0x22: {  	s16 =	sadd.s32 @!p1 s16, s17;
	s17 =	sand.u32 @!p1 $0x380, s18  }
0x23: {  	s18 =	sand.u32 @!p1 $0x7F, s11;
	s16 =	sor.u32 @!p1 s17, s16  }
0x24: {  	s17 =	sor.u32 @!p1 s18, s16  }
0x25: {  	s18 =	smulhi.u32 @!p1 $0xCE7BD5B5, s17;
	_ =	sdelay $0x1  }
0x26: {  	s16 =	smulhi.u32 @!p1 $0xCE7BD5B5, s16;
	s18 =	sshrl.u32 @!p1 s18, $0x15  }
0x27: {  	s18 =	smul.u32 @!p1 $0x27AC80, s18  }
0x28: {  	s19 =	sxor.u32 @!p1 $0xFFFFFFFF, s13;
	s16 =	sshrl.u32 @!p1 s16, $0x15  }
0x29: {  	s19 =	sshll.u32 @!p1 s19, $0xD;
	s16 =	sand.u32 @!p1 $0x3F, s16;
	s17 =	ssub.s32 @!p1 s17, s18  }
0x2a: {  	s16 =	smul.u32 @!p1 $0x4F590, s16;
	s18 =	sshrl.u32 @!p1 s17, $0x3;
	s17 =	sand.u32 @!p1 $0x7, s17  }
0x2b: {  	s19 =	sand.u32 @!p1 $0x2000, s19;
	s18 =	sadd.s32 @!p1 s2, s18;
	s17 =	sshll.u32 @!p1 s17, $0x12  }
0x2c: {  	s16 =	sadd.s32 @!p1 s16, s18;
	s17 =	sor.u32 @!p1 $0x400, s17;
	s18 =	simm.s32 @!p1 $0x13D6400  }
0x2d: {  	[tilespmem:s19], [sflag:$0x1] =	stream.strided.gather @!p1 [hbm4b:s16+s17], $0x2000, s18, s17, $0x38;
	[tilespmem:$0x8100] =	vst v63  }
0x2e: {  	p1 =	seq.s32 s13, $0x0  }
0x2f: {  	p2 =	sge.u32 @!p1 s13, s7  }
0x30: {  	p1 =	por p1, p2  }
.Ltmp2:
0x31: {  	_ = 	snop;
	(pc) =	sbr.rel @p1 .LBB1_5-.Ltmp2, $1  }
0x32: {  	_ =	sdelay $0x3  }
0x33: {  	s16 =	simm.s32 $0x1  }
0x34: {  	_ =	swait.ge [sflag:s4], $0x2000;
	s16 =	simm.s32 @!p0 $0x0  }
0x35: {  	[sflag:s4] =	ssyncset.done $0x0;
	s17 =	sshll.u32 s16, $0xD  }
0x36: {  	[sflag:s4] =	ssyncadd.s32 $0xFFFFE000;
	s18 =	sor.u32 $0x40, s17  }
0x37: {  	s16 =	smul.u32 $0x8200, s16;
	v0 =	vld [tilespmem:s18+$0x30]  }
0x38: {  	v1 =	vld [tilespmem:s18+$0xFFFFFFD0]  }
0x39: {  	s16 =	sshrl.u32 s16, $0x2;
	v2 =	vld [tilespmem:s18+$0xFFFFFFE0]  }
0x3a: {  	v5 =	vld [tilespmem:s18+$0xFFFFFFF0];
	s19 =	sor.u32 $0x4000, s16  }
0x3b: {  	s31 =	sand.u32 $0x1, s13;
	v4 =	vld [tilespmem:s18+$0x0];
	s17 =	sadd.s32 $0x0, s19  }
0x3c: {  	v3 =	vld [tilespmem:s18+$0x10];
	s16 =	smul.u32 $0x8200, s31;
	[tilespmem:s17+$0x1C70 ss:$0x41] =	vst.msk $0xffff, v0  }
0x3d: {  	[tilespmem:s17+$0x410 ss:$0x41] =	vst.msk $0xffff, v1;
	v1 =	vld [tilespmem:s18+$0x20]  }
0x3e: {  	s16 =	sshrl.u32 s16, $0x2;
	v0 =	vld [tilespmem:s18+$0xFFFFFFC0];
	[tilespmem:s17+$0x820 ss:$0x41] =	vst.msk $0xffff, v2;
	s18 =	sadd.s32 $0x80, s18  }
0x3f: {  	s20 =	simm.s32 $0x4;
	s21 =	simm.s32 $0x8;
	s16 =	sor.u32 $0x4000, s16;
	[tilespmem:s17+$0xC30 ss:$0x41] =	vst.msk $0xffff, v5;
	v2 =	vld [tilespmem:s18+$0x30]  }
.LBB1_3:
0x40: {  	p1 =	sne.s32 s21, $0xFC;
	v5 =	vld [tilespmem:s18+$0xFFFFFFD0];
	[tilespmem:s17+$0x1040 ss:$0x41] =	vst.msk $0xffff, v4  }
0x41: {  	v6 =	vld [tilespmem:s18+$0xFFFFFFE0];
	[tilespmem:s17+$0x1450 ss:$0x41] =	vst.msk $0xffff, v3  }
0x42: {  	s22 =	sshra.s32 s20, $0x2;
	s20 =	smov.u32 s21;
	v7 =	vld [tilespmem:s18+$0xFFFFFFF0];
	[tilespmem:s17+$0x1860 ss:$0x41] =	vst.msk $0xffff, v1  }
.Ltmp3:
0x43: {  	v4 =	vld [tilespmem:s18+$0x0];
	[tilespmem:s17+$0x0 ss:$0x41] =	vst.msk $0xffff, v0;
	s17 =	sadd.s32 s22, s19;
	(pc) =	sbr.rel @p1 .LBB1_3-.Ltmp3, $4  }
0x44: {  	v3 =	vld [tilespmem:s18+$0x10];
	[tilespmem:s17+$0x1C70 ss:$0x41] =	vst.msk $0xffff, v2  }
0x45: {  	[tilespmem:s17+$0x410 ss:$0x41] =	vst.msk $0xffff, v5;
	v1 =	vld [tilespmem:s18+$0x20]  }
0x46: {  	v0 =	vld [tilespmem:s18+$0xFFFFFFC0];
	[tilespmem:s17+$0x820 ss:$0x41] =	vst.msk $0xffff, v6;
	s18 =	sadd.s32 $0x80, s18  }
0x47: {  	s21 =	sadd.s32 $0x4, s21;
	v2 =	vld [tilespmem:s18+$0x30];
	[tilespmem:s17+$0xC30 ss:$0x41] =	vst.msk $0xffff, v7  }
0x48: {  	s21 =	sshll.u32 s9, $0x7;
	s22 =	sshll.u32 s10, $0x3;
	s20 =	sshra.s32 s20, $0x2  }
0x49: {  	v5 =	vld [tilespmem:s18+$0xFFFFFFD0];
	p1 =	sgt.s32 s9, $0x27ABC0;
	s24 =	sshra.s32 s9, $0x1F;
	s29 =	sshrl.u32 s10, $0x3  }
0x4a: {  	v58 =	vld [tilespmem:s18+$0xFFFFFFE0];
	s30 =	sand.u32 $0x7, s10;
	s23 =	sand.u32 $0xFFFFFC00, s21;
	s22 =	sand.u32 $0xFFFFFC00, s22  }
0x4b: {  	[tilespmem:s17+$0x1040 ss:$0x41] =	vst.msk $0xffff, v4;
	v59 =	vld [tilespmem:s18+$0xFFFFFFF0];
	s21 =	sand.u32 $0x380, s21;
	s19 =	sadd.s32 s20, s19;
	s22 =	sadd.s32 s22, s23  }
0x4c: {  	v60 =	vld [tilespmem:s18+$0x0];
	[tilespmem:s17+$0x1450 ss:$0x41] =	vst.msk $0xffff, v3;
	s23 =	sor.u32 s21, s22;
	s21 =	smov.u32 s9;
	s22 =	sand.u32 s24, s9  }
0x4d: {  	v61 =	vld [tilespmem:s18+$0x10];
	[tilespmem:s17+$0x1860 ss:$0x41] =	vst.msk $0xffff, v1;
	s24 =	sshra.s32 s10, $0x1F;
	s20 =	sshrl.u32 s23, $0x7;
	s21 =	simm.s32 @!p1 $0x27ABC0  }
0x4e: {  	v62 =	vld [tilespmem:s18+$0x20];
	[tilespmem:s17+$0x0 ss:$0x41] =	vst.msk $0xffff, v0;
	p1 =	sgt.s32 s10, $0x40;
	s21 =	ssub.s32 s21, s22;
	s22 =	smov.u32 s10  }
0x4f: {  	v63 =	vld [tilespmem:s18+$0xFFFFFFC0];
	[tilespmem:s19+$0x1C70 ss:$0x41] =	vst.msk $0xffff, v2;
	s24 =	sand.u32 s24, s10;
	s25 =	smulhi.u32 $0xCE7D23, s20;
	s22 =	simm.s32 @!p1 $0x40  }
0x50: {  	[tilespmem:s19+$0x410 ss:$0x41] =	vst.msk $0xffff, v5;
	s27 =	sadd.s32 $0xFFD85440, s21;
	s18 =	ssub.s32 $0x27AC40, s21;
	s22 =	ssub.s32 s22, s24  }
0x51: {  	[tilespmem:s19+$0x820 ss:$0x41] =	vst.msk $0xffff, v58;
	s23 =	sshrl.u32 s25, $0xD;
	p1 =	sgt.s32 s27, $0x7F;
	s28 =	sadd.s32 $0xFFFFFFC0, s22  }
0x52: {  	[tilespmem:s19+$0xC30 ss:$0x41] =	vst.msk $0xffff, v59;
	s26 =	smul.u32 $0x27AC40, s23;
	s21 =	ssub.s32 $0x80, s22;
	p2 =	sgt.s32 s28, $0x3F  }
.Ltmp4:
0x53: {  	[tilespmem:s19+$0x1040 ss:$0x41] =	vst.msk $0xffff, v60;
	s18 =	simm.s32 @p1 $0x0;
	s21 =	simm.s32 @p2 $0x0;
	(pc) =	sbr.rel .LBB1_5-.Ltmp4, $4  }
0x54: {  	[tilespmem:s19+$0x1450 ss:$0x41] =	vst.msk $0xffff, v61;
	s17 =	ssub.s32 s20, s26;
	s20 =	sand.u32 $0xF, s29;
	s18 =	smul.u32 s21, s18  }
0x55: {  	[tilespmem:s19+$0x1860 ss:$0x41] =	vst.msk $0xffff, v62;
	s17 =	sshll.u32 s17, $0x4;
	s20 =	sadd.s32 s5, s20;
	s21 =	sshll.u32 s30, $0x12  }
0x56: {  	[tilespmem:s19+$0x0 ss:$0x41] =	vst.msk $0xffff, v63;
	s17 =	sadd.s32 s17, s20;
	s31 =	sor.u32 $0x40, s21;
	s18 =	sand.u32 $0x3FFFFFFF, s18  }
0x57: {  	[hbm4b:s17+s31] =	stream.strided.scatter [tilespmem:s16], [sflag:$0x2], s18, s8, s31, $0x18;
	[tilespmem:$0x8100] =	vst v63  }
.LBB1_6:
0x58: {  	_ =	sfence.sel $0x180000  }
0x59: {  	s2 =	simm.s32 $0x1;
	[bflag:$0x0] =	sbarrier.arrive $0xFFFF  }
0x5a: {  	s31 =	simm.s32 $0x2;
	[sflag:s2] =	ssyncpa.u1 $0x1  }
0x5b: {  	[sflag:s31] =	ssyncpa.u1 $0x1  }
0x5c: {  	p0 =	sne.s32 s1, $0x0;
	_ =	strace $0x90000047  }
0x5d: {  	s0 =	sadd.s32 @!p0 $0x100000, s0;
	[bflag:$0x2] =	sbarrier.arrive $0xFFFF  }
0x5e: {  	[sflag:s0] =	ssyncadd.tile.s32 @!p0 $0x1;
	_ =	shalt  }
.Lfunc_end1:
_tile_overlayer_lowered:
.L_overlay_start_2:
0x5f: {  	(tag) =	ssettag $0x2  }
0x60: {  	s0 =	rddreg [dreg:$0x0];
	s2 =	stileid.u32  }
0x61: {  	s1 =	rddreg [dreg:$0x1];
	p0 =	sne.s32 s2, $0x0  }
0x62: {  	s3 =	rddreg [dreg:$0x2];
	[bflag:$0x3] =	sbarrier.arrive $0xFFFF;
	s2 =	simm.s32 @!p0 $0x1C01  }
0x63: {  	[timem:s3], [sflag:s2] =	dma.local @!p0 [hbm:s0], s1  }
0x64: {  	s0 =	simm.s32 @!p0 $0x1  }
0x65: {  	_ =	swait.ge @!p0 [sflag:s0], s1  }
0x66: {  	s1 =	ssub.s32 @!p0 $0x0, s1;
	[sflag:s0] =	ssyncset.done @!p0 $0x0  }
0x67: {  	[sflag:s0] =	ssyncadd.s32 @!p0 s1  }
0x68: {  	[bflag:$0x3] =	sbarrier.arrive $0xFFFF  }
0x69: {  	_ =	shalt  }

</sc_bundles>
